<compile_context>
chip_gen: v7x
topology: tpu7x:2x2x1
jax: 0.10.2.dev20260603
libtpu: 0.0.44.dev20260713+nightly
codegen_flags: <defaults>
</compile_context>

<pallas_src>
import functools

import jax
import jax.numpy as jnp
from jax import lax
from jax.experimental import pallas as pl
from jax.experimental.pallas import tpu as pltpu
from jax.experimental.pallas import tpu_sc as plsc

_T1 = 1001
_D = 128
_B = 16384
_H = 20

_info = plsc.get_sparse_core_info()
_NC = _info.num_cores
_NS = _info.num_subcores
_NW = _NC * _NS
_RPW = _B // _NW

_CH = 128
_NCH = _RPW // _CH
_GPW = _H * _NCH
_NBUF = 5

_mesh = plsc.VectorSubcoreMesh(core_axis_name="c", subcore_axis_name="s")


@functools.partial(
    pl.kernel,
    mesh=_mesh,
    out_type=jax.ShapeDtypeStruct((_H, _B, _D), jnp.float32),
    scratch_types=[
        pltpu.VMEM((_H, _RPW), jnp.int32),
        pltpu.VMEM((_NBUF, _CH, _D), jnp.float32),
        pltpu.VMEM_SHARED((_T1, _D), jnp.float32),
        pltpu.SemaphoreType.DMA((_NBUF,)),
        pltpu.SemaphoreType.DMA((_NBUF,)),
    ],
)
def _sc_gather(idx_hbm, table_hbm, out_hbm, idx_v, rows_v, table_sp,
               gsem, ssem):
    sid = lax.axis_index("s")
    wid = sid * _NC + lax.axis_index("c")
    base = wid * _RPW

    @pl.when(sid < _NS - 1)
    def _():
        pltpu.sync_copy(table_hbm.at[pl.ds(sid * 64, 64)],
                        table_sp.at[pl.ds(sid * 64, 64)])

    @pl.when(sid == _NS - 1)
    def _():
        pltpu.sync_copy(table_hbm.at[pl.ds(960, _T1 - 960)],
                        table_sp.at[pl.ds(960, _T1 - 960)])

    pltpu.sync_copy(idx_hbm.at[pl.ds(0, _H), pl.ds(base, _RPW)], idx_v)
    plsc.subcore_barrier()

    def fire_gather(slot, g):
        h = g // _NCH
        c = g % _NCH
        return pltpu.async_copy(
            table_sp.at[idx_v.at[h, pl.ds(c * _CH, _CH)]], rows_v.at[slot],
            gsem.at[slot])

    def fire_store(slot, g):
        h = g // _NCH
        c = g % _NCH
        pltpu.async_copy(
            rows_v.at[slot], out_hbm.at[h, pl.ds(base + c * _CH, _CH)],
            ssem.at[slot])

    def wait_store(slot, g):
        h = g // _NCH
        c = g % _NCH
        pltpu.make_async_copy(
            rows_v.at[slot], out_hbm.at[h, pl.ds(base + c * _CH, _CH)],
            ssem.at[slot]).wait()

    def outer(o, carry):
        handles = []
        for b in range(_NBUF):
            g = o * _NBUF + b

            @pl.when(g >= _NBUF)
            def _():
                wait_store(b, g - _NBUF)

            handles.append(fire_gather(b, g))
        for b in range(_NBUF):
            g = o * _NBUF + b
            handles[b].wait()
            fire_store(b, g)
        return carry

    lax.fori_loop(0, _GPW // _NBUF, outer, 0)

    for g in range(_GPW - _NBUF, _GPW):
        wait_store(g % _NBUF, g)


def kernel(inputs, time_encodings):
    out_hbd = _sc_gather(inputs.T, time_encodings)
    return jnp.transpose(out_hbd, (1, 0, 2))

# --- scband reference (transcript-rebuilt; emitter-appended) ---
"""Pipeline reference for scband-time-encoding-79585743995361 (READ-ONLY COPY).

The authoritative reference and input builder live on the scoring server;
editing this copy changes nothing except your own understanding.
"""

import jax, jax.numpy as jnp
import numpy as np

T = 1000
EMBED_SIZE = 128
BATCH = 16384
HIST = 20

def _build_time_encodings():
    # Faithful reproduction of the keras layer's __init__ table construction
    p, i = np.meshgrid(np.arange(T + 1), 2 * np.arange(EMBED_SIZE // 2))
    t_emb = np.empty((T + 1, EMBED_SIZE))
    t_emb[:, ::2] = np.sin(p / 10000 ** (i / EMBED_SIZE)).T
    t_emb[:, 1::2] = np.cos(p / 10000 ** (i / EMBED_SIZE)).T
    return jnp.asarray(t_emb.astype(np.float32))

def setup_inputs(seed: int = 0) -> dict:
    key = jax.random.key(seed)
    inputs = jax.random.randint(key, (BATCH, HIST), 0, T + 1, dtype=jnp.int32)
    time_encodings = _build_time_encodings()
    return {"inputs": inputs, "time_encodings": time_encodings}

def reference(inputs, time_encodings):
    # tf.gather(self.time_encodings, inputs) -> gather rows along axis 0
    return jnp.take(time_encodings, inputs, axis=0)

if __name__ == "__main__":
    import jax
    _d = setup_inputs()
    print(jax.jit(kernel)(*tuple(_d.values())))

</pallas_src>

<mosaic_0001>
#map = affine_map<(d0, d1) -> (0, 0)>
#map1 = affine_map<(d0, d1) -> (0, 0, 0)>
module attributes {stable_mosaic.version = 14 : i64} {
  func.func @_sc_gather(%arg0: i32, %arg1: i32, %arg2: memref<20x16384xi32, #tpu.memory_space<hbm>>, %arg3: memref<1001x128xf32, #tpu.memory_space<hbm>>, %arg4: memref<20x16384x128xf32, #tpu.memory_space<hbm>>, %arg5: memref<20x512xi32, #tpu.memory_space<vmem>>, %arg6: memref<5x128x128xf32, #tpu.memory_space<vmem>>, %arg7: memref<1001x128xf32, #tpu.memory_space<vmem_shared>>, %arg8: memref<5x!tpu.dma_semaphore, #tpu.memory_space<semaphore_mem>>, %arg9: memref<5x!tpu.dma_semaphore, #tpu.memory_space<semaphore_mem>>) attributes {dimension_semantics = [#tpu.dimension_semantics<core_parallel>, #tpu.dimension_semantics<subcore_parallel>], iteration_bounds = array<i64: 2, 16>, scalar_prefetch = 0 : i64, scratch_operands = 5 : i64, tpu.core_type = #tpu.core_type<sc_vector_subcore>, window_params = [{transform_indices = #map}, {transform_indices = #map}, {transform_indices = #map1}]} {
    %mul3A = arith.constant 2 : i32
    %mul3A_0 = arith.muli %arg1, %mul3A : i32
    %add3A = arith.addi %mul3A_0, %arg0 : i32
    %mul3A_1 = arith.constant 512 : i32
    %mul3A_2 = arith.muli %add3A, %mul3A_1 : i32
    %lt3A = arith.constant 15 : i32
    %lt3A_3 = arith.cmpi slt, %arg1, %lt3A : i32
    %convert_element_type3A = arith.extui %lt3A_3 : i1 to i32
    %cond3A = arith.constant 0 : i32
    %cond3A_4 = arith.cmpi ne, %convert_element_type3A, %cond3A : i32
    scf.if %cond3A_4 {
      %mul3A_118 = arith.constant 64 : i32
      %mul3A_119 = arith.muli %arg1, %mul3A_118 : i32
      %mul3A_120 = arith.constant 64 : i32
      %mul3A_121 = arith.muli %arg1, %mul3A_120 : i32
      "tpu.region"() ({
        %run_scoped3A = tpu.sem_alloc : memref<!tpu.dma_semaphore, #tpu.memory_space<semaphore_mem>>
        %dma_start3A = arith.constant 0 : i32
        %dma_start3A_122 = tpu.memref_slice %arg7[%mul3A_121, %dma_start3A] : memref<1001x128xf32, #tpu.memory_space<vmem_shared>> -> memref<64x128xf32, #tpu.memory_space<vmem_shared>>
        %dma_start3A_123 = arith.constant 0 : i32
        %dma_start3A_124 = tpu.memref_slice %arg3[%mul3A_119, %dma_start3A_123] : memref<1001x128xf32, #tpu.memory_space<hbm>> -> memref<64x128xf32, #tpu.memory_space<hbm>>
        tpu.enqueue_dma source(%dma_start3A_124 : memref<64x128xf32, #tpu.memory_space<hbm>>) target(%dma_start3A_122 : memref<64x128xf32, #tpu.memory_space<vmem_shared>>) target_semaphore(%run_scoped3A : memref<!tpu.dma_semaphore, #tpu.memory_space<semaphore_mem>>)
        %dma_wait3A_125 = arith.constant 0 : i32
        %dma_wait3A_126 = tpu.memref_slice %arg7[%mul3A_121, %dma_wait3A_125] : memref<1001x128xf32, #tpu.memory_space<vmem_shared>> -> memref<64x128xf32, #tpu.memory_space<vmem_shared>>
        %dma_wait3A_127 = arith.constant 0 : i32
        %dma_wait3A_128 = tpu.memref_slice %arg3[%mul3A_119, %dma_wait3A_127] : memref<1001x128xf32, #tpu.memory_space<hbm>> -> memref<64x128xf32, #tpu.memory_space<hbm>>
        tpu.wait_dma2 semaphore(%run_scoped3A : memref<!tpu.dma_semaphore, #tpu.memory_space<semaphore_mem>>) src(%dma_wait3A_128 : memref<64x128xf32, #tpu.memory_space<hbm>>) dst(%dma_wait3A_126 : memref<64x128xf32, #tpu.memory_space<vmem_shared>>)
        tpu.yield
      }) : () -> ()
    } else {
    }
    %eq3A = arith.constant 15 : i32
    %eq3A_5 = arith.cmpi eq, %arg1, %eq3A : i32
    %convert_element_type3A_6 = arith.extui %eq3A_5 : i1 to i32
    %cond3A_7 = arith.constant 0 : i32
    %cond3A_8 = arith.cmpi ne, %convert_element_type3A_6, %cond3A_7 : i32
    scf.if %cond3A_8 {
      "tpu.region"() ({
        %run_scoped3A = tpu.sem_alloc : memref<!tpu.dma_semaphore, #tpu.memory_space<semaphore_mem>>
        %dma_start3A = arith.constant 960 : i32
        %dma_start3A_118 = arith.constant 0 : i32
        %dma_start3A_119 = tpu.memref_slice %arg7[%dma_start3A, %dma_start3A_118] : memref<1001x128xf32, #tpu.memory_space<vmem_shared>> -> memref<41x128xf32, #tpu.memory_space<vmem_shared>>
        %dma_start3A_120 = arith.constant 960 : i32
        %dma_start3A_121 = arith.constant 0 : i32
        %dma_start3A_122 = tpu.memref_slice %arg3[%dma_start3A_120, %dma_start3A_121] : memref<1001x128xf32, #tpu.memory_space<hbm>> -> memref<41x128xf32, #tpu.memory_space<hbm>>
        tpu.enqueue_dma source(%dma_start3A_122 : memref<41x128xf32, #tpu.memory_space<hbm>>) target(%dma_start3A_119 : memref<41x128xf32, #tpu.memory_space<vmem_shared>>) target_semaphore(%run_scoped3A : memref<!tpu.dma_semaphore, #tpu.memory_space<semaphore_mem>>)
        %dma_wait3A_123 = arith.constant 960 : i32
        %dma_wait3A_124 = arith.constant 0 : i32
        %dma_wait3A_125 = tpu.memref_slice %arg7[%dma_wait3A_123, %dma_wait3A_124] : memref<1001x128xf32, #tpu.memory_space<vmem_shared>> -> memref<41x128xf32, #tpu.memory_space<vmem_shared>>
        %dma_wait3A_126 = arith.constant 960 : i32
        %dma_wait3A_127 = arith.constant 0 : i32
        %dma_wait3A_128 = tpu.memref_slice %arg3[%dma_wait3A_126, %dma_wait3A_127] : memref<1001x128xf32, #tpu.memory_space<hbm>> -> memref<41x128xf32, #tpu.memory_space<hbm>>
        tpu.wait_dma2 semaphore(%run_scoped3A : memref<!tpu.dma_semaphore, #tpu.memory_space<semaphore_mem>>) src(%dma_wait3A_128 : memref<41x128xf32, #tpu.memory_space<hbm>>) dst(%dma_wait3A_125 : memref<41x128xf32, #tpu.memory_space<vmem_shared>>)
        tpu.yield
      }) : () -> ()
    } else {
    }
    "tpu.region"() ({
      %run_scoped3A = tpu.sem_alloc : memref<!tpu.dma_semaphore, #tpu.memory_space<semaphore_mem>>
      %dma_start3A = arith.constant 0 : i32
      %dma_start3A_118 = tpu.memref_slice %arg2[%dma_start3A, %mul3A_2] : memref<20x16384xi32, #tpu.memory_space<hbm>> -> memref<20x512xi32, #tpu.memory_space<hbm>>
      %dma_start3A_119 = arith.constant 0 : i32
      %dma_start3A_120 = tpu.memref_slice %arg2[%dma_start3A_119, %mul3A_2] : memref<20x16384xi32, #tpu.memory_space<hbm>> -> memref<20x512xi32, #tpu.memory_space<hbm>>
      tpu.enqueue_dma source(%dma_start3A_120 : memref<20x512xi32, #tpu.memory_space<hbm>>) target(%arg5 : memref<20x512xi32, #tpu.memory_space<vmem>>) target_semaphore(%run_scoped3A : memref<!tpu.dma_semaphore, #tpu.memory_space<semaphore_mem>>)
      %dma_wait3A_121 = arith.constant 0 : i32
      %dma_wait3A_122 = tpu.memref_slice %arg2[%dma_wait3A_121, %mul3A_2] : memref<20x16384xi32, #tpu.memory_space<hbm>> -> memref<20x512xi32, #tpu.memory_space<hbm>>
      %dma_wait3A_123 = arith.constant 0 : i32
      %dma_wait3A_124 = tpu.memref_slice %arg2[%dma_wait3A_123, %mul3A_2] : memref<20x16384xi32, #tpu.memory_space<hbm>> -> memref<20x512xi32, #tpu.memory_space<hbm>>
      tpu.wait_dma2 semaphore(%run_scoped3A : memref<!tpu.dma_semaphore, #tpu.memory_space<semaphore_mem>>) src(%dma_wait3A_124 : memref<20x512xi32, #tpu.memory_space<hbm>>) dst(%arg5 : memref<20x512xi32, #tpu.memory_space<vmem>>)
      tpu.yield
    }) : () -> ()
    %barrier3A = arith.constant 0 : index
    tpu.barrier barrier_id(%barrier3A)
    %scan3A = arith.constant 0 : i32
    %scan3A_9 = arith.constant 0 : i32
    %scan3A_10 = arith.constant 16 : i32
    %scan3A_11 = arith.addi %scan3A_9, %scan3A_10 : i32
    %scan3A_12 = arith.constant 1 : i32
    scf.for %scan3A_118 = %scan3A_9 to %scan3A_11 step %scan3A_12  : i32 {
      %mul3A_119 = arith.constant 5 : i32
      %mul3A_120 = arith.muli %scan3A_118, %mul3A_119 : i32
      %add3A_121 = arith.constant 0 : i32
      %add3A_122 = arith.addi %mul3A_120, %add3A_121 : i32
      %ge3A = arith.constant 5 : i32
      %ge3A_123 = arith.cmpi sge, %add3A_122, %ge3A : i32
      %convert_element_type3A_124 = arith.extui %ge3A_123 : i1 to i32
      %cond3A_125 = arith.constant 0 : i32
      %cond3A_126 = arith.cmpi ne, %convert_element_type3A_124, %cond3A_125 : i32
      scf.if %cond3A_126 {
        %sub3A_819 = arith.constant 5 : i32
        %sub3A_820 = arith.subi %add3A_122, %sub3A_819 : i32
        %jit3A_821 = arith.constant 4 : i32
        %div3A_822 = arith.divsi %sub3A_820, %jit3A_821 : i32
        %sign3A_823 = arith.constant 0 : i32
        %sign3A_824 = arith.cmpi sgt, %sub3A_820, %sign3A_823 : i32
        %sign3A_825 = arith.extui %sign3A_824 : i1 to i32
        %sign3A_826 = arith.constant 0 : i32
        %sign3A_827 = arith.cmpi slt, %sub3A_820, %sign3A_826 : i32
        %sign3A_828 = arith.extui %sign3A_827 : i1 to i32
        %sign3A_829 = arith.subi %sign3A_825, %sign3A_828 : i32
        %sign3A_830 = arith.constant 0 : i32
        %sign3A_831 = arith.cmpi sgt, %jit3A_821, %sign3A_830 : i32
        %sign3A_832 = arith.extui %sign3A_831 : i1 to i32
        %sign3A_833 = arith.constant 0 : i32
        %sign3A_834 = arith.cmpi slt, %jit3A_821, %sign3A_833 : i32
        %sign3A_835 = arith.extui %sign3A_834 : i1 to i32
        %sign3A_836 = arith.subi %sign3A_832, %sign3A_835 : i32
        %ne3A_837 = arith.cmpi ne, %sign3A_829, %sign3A_836 : i32
        %rem3A_838 = arith.remsi %sub3A_820, %jit3A_821 : i32
        %ne3A_839 = arith.constant 0 : i32
        %ne3A_840 = arith.cmpi ne, %rem3A_838, %ne3A_839 : i32
        %and3A_841 = arith.andi %ne3A_837, %ne3A_840 : i1
        %sub3A_842 = arith.constant 1 : i32
        %sub3A_843 = arith.subi %div3A_822, %sub3A_842 : i32
        %select_n3A_844 = arith.select %and3A_841, %sub3A_843, %div3A_822 : i32
        %jit3A_845 = arith.constant 4 : i32
        %eq3A_846 = arith.constant 0 : i32
        %eq3A_847 = arith.cmpi eq, %jit3A_845, %eq3A_846 : i32
        %jit3A_848 = arith.constant 1 : i32
        %select_n3A_849 = arith.select %eq3A_847, %jit3A_848, %jit3A_845 : i32
        %rem3A_850 = arith.remsi %sub3A_820, %select_n3A_849 : i32
        %ne3A_851 = arith.constant 0 : i32
        %ne3A_852 = arith.cmpi ne, %rem3A_850, %ne3A_851 : i32
        %lt3A_853 = arith.constant 0 : i32
        %lt3A_854 = arith.cmpi slt, %rem3A_850, %lt3A_853 : i32
        %lt3A_855 = arith.constant 0 : i32
        %lt3A_856 = arith.cmpi slt, %select_n3A_849, %lt3A_855 : i32
        %ne3A_857 = arith.xori %lt3A_854, %lt3A_856 : i1
        %and3A_858 = arith.andi %ne3A_857, %ne3A_852 : i1
        %add3A_859 = arith.addi %rem3A_850, %select_n3A_849 : i32
        %select_n3A_860 = arith.select %and3A_858, %add3A_859, %rem3A_850 : i32
        %mul3A_861 = arith.constant 128 : i32
        %mul3A_862 = arith.muli %select_n3A_860, %mul3A_861 : i32
        %add3A_863 = arith.addi %mul3A_2, %mul3A_862 : i32
        %dma_wait3A_864 = arith.constant 0 : i32
        %dma_wait3A_865 = arith.constant 0 : i32
        %dma_wait3A_866 = arith.constant 0 : i32
        %dma_wait3A_867 = arith.constant 0 : i32
        %dma_wait3A_868 = tpu.memref_slice %arg6[%dma_wait3A_864, %dma_wait3A_866, %dma_wait3A_867] : memref<5x128x128xf32, #tpu.memory_space<vmem>> -> memref<1x128x128xf32, #tpu.memory_space<vmem>>
        %dma_wait3A_869 = tpu.memref_squeeze %dma_wait3A_868 : memref<1x128x128xf32, #tpu.memory_space<vmem>> -> memref<128x128xf32, #tpu.memory_space<vmem>>
        %dma_wait3A_870 = arith.constant 0 : i32
        %dma_wait3A_871 = tpu.memref_slice %arg4[%select_n3A_844, %add3A_863, %dma_wait3A_870] : memref<20x16384x128xf32, #tpu.memory_space<hbm>> -> memref<1x128x128xf32, #tpu.memory_space<hbm>>
        %dma_wait3A_872 = tpu.memref_squeeze %dma_wait3A_871 : memref<1x128x128xf32, #tpu.memory_space<hbm>> -> memref<128x128xf32, #tpu.memory_space<hbm>>
        %dma_wait3A_873 = tpu.memref_slice %arg9[%dma_wait3A_865] : memref<5x!tpu.dma_semaphore, #tpu.memory_space<semaphore_mem>> -> memref<1x!tpu.dma_semaphore, #tpu.memory_space<semaphore_mem>>
        %dma_wait3A_874 = tpu.memref_squeeze %dma_wait3A_873 : memref<1x!tpu.dma_semaphore, #tpu.memory_space<semaphore_mem>> -> memref<!tpu.dma_semaphore, #tpu.memory_space<semaphore_mem>>
        %dma_wait3A_875 = arith.constant 0 : i32
        %dma_wait3A_876 = tpu.memref_slice %arg4[%select_n3A_844, %add3A_863, %dma_wait3A_875] : memref<20x16384x128xf32, #tpu.memory_space<hbm>> -> memref<1x128x128xf32, #tpu.memory_space<hbm>>
        %dma_wait3A_877 = tpu.memref_squeeze %dma_wait3A_876 : memref<1x128x128xf32, #tpu.memory_space<hbm>> -> memref<128x128xf32, #tpu.memory_space<hbm>>
        %dma_wait3A_878 = arith.constant 0 : i32
        %dma_wait3A_879 = arith.constant 0 : i32
        %dma_wait3A_880 = tpu.memref_slice %arg6[%dma_wait3A_864, %dma_wait3A_878, %dma_wait3A_879] : memref<5x128x128xf32, #tpu.memory_space<vmem>> -> memref<1x128x128xf32, #tpu.memory_space<vmem>>
        %dma_wait3A_881 = tpu.memref_squeeze %dma_wait3A_880 : memref<1x128x128xf32, #tpu.memory_space<vmem>> -> memref<128x128xf32, #tpu.memory_space<vmem>>
        tpu.wait_dma2 semaphore(%dma_wait3A_874 : memref<!tpu.dma_semaphore, #tpu.memory_space<semaphore_mem>>) src(%dma_wait3A_881 : memref<128x128xf32, #tpu.memory_space<vmem>>) dst(%dma_wait3A_877 : memref<128x128xf32, #tpu.memory_space<hbm>>)
      } else {
      }
      %jit3A = arith.constant 4 : i32
      %div3A = arith.divsi %add3A_122, %jit3A : i32
      %sign3A = arith.constant 0 : i32
      %sign3A_127 = arith.cmpi sgt, %add3A_122, %sign3A : i32
      %sign3A_128 = arith.extui %sign3A_127 : i1 to i32
      %sign3A_129 = arith.constant 0 : i32
      %sign3A_130 = arith.cmpi slt, %add3A_122, %sign3A_129 : i32
      %sign3A_131 = arith.extui %sign3A_130 : i1 to i32
      %sign3A_132 = arith.subi %sign3A_128, %sign3A_131 : i32
      %sign3A_133 = arith.constant 0 : i32
      %sign3A_134 = arith.cmpi sgt, %jit3A, %sign3A_133 : i32
      %sign3A_135 = arith.extui %sign3A_134 : i1 to i32
      %sign3A_136 = arith.constant 0 : i32
      %sign3A_137 = arith.cmpi slt, %jit3A, %sign3A_136 : i32
      %sign3A_138 = arith.extui %sign3A_137 : i1 to i32
      %sign3A_139 = arith.subi %sign3A_135, %sign3A_138 : i32
      %ne3A = arith.cmpi ne, %sign3A_132, %sign3A_139 : i32
      %rem3A = arith.remsi %add3A_122, %jit3A : i32
      %ne3A_140 = arith.constant 0 : i32
      %ne3A_141 = arith.cmpi ne, %rem3A, %ne3A_140 : i32
      %and3A = arith.andi %ne3A, %ne3A_141 : i1
      %sub3A = arith.constant 1 : i32
      %sub3A_142 = arith.subi %div3A, %sub3A : i32
      %select_n3A = arith.select %and3A, %sub3A_142, %div3A : i32
      %jit3A_143 = arith.constant 4 : i32
      %eq3A_144 = arith.constant 0 : i32
      %eq3A_145 = arith.cmpi eq, %jit3A_143, %eq3A_144 : i32
      %jit3A_146 = arith.constant 1 : i32
      %select_n3A_147 = arith.select %eq3A_145, %jit3A_146, %jit3A_143 : i32
      %rem3A_148 = arith.remsi %add3A_122, %select_n3A_147 : i32
      %ne3A_149 = arith.constant 0 : i32
      %ne3A_150 = arith.cmpi ne, %rem3A_148, %ne3A_149 : i32
      %lt3A_151 = arith.constant 0 : i32
      %lt3A_152 = arith.cmpi slt, %rem3A_148, %lt3A_151 : i32
      %lt3A_153 = arith.constant 0 : i32
      %lt3A_154 = arith.cmpi slt, %select_n3A_147, %lt3A_153 : i32
      %ne3A_155 = arith.xori %lt3A_152, %lt3A_154 : i1
      %and3A_156 = arith.andi %ne3A_155, %ne3A_150 : i1
      %add3A_157 = arith.addi %rem3A_148, %select_n3A_147 : i32
      %select_n3A_158 = arith.select %and3A_156, %add3A_157, %rem3A_148 : i32
      %mul3A_159 = arith.constant 128 : i32
      %mul3A_160 = arith.muli %select_n3A_158, %mul3A_159 : i32
      %dma_start3A = arith.constant 0 : i32
      %dma_start3A_161 = arith.constant 0 : i32
      %dma_start3A_162 = arith.constant 0 : i32
      %dma_start3A_163 = arith.constant 0 : i32
      %dma_start3A_164 = tpu.memref_slice %arg6[%dma_start3A, %dma_start3A_162, %dma_start3A_163] : memref<5x128x128xf32, #tpu.memory_space<vmem>> -> memref<1x128x128xf32, #tpu.memory_space<vmem>>
      %dma_start3A_165 = tpu.memref_squeeze %dma_start3A_164 : memref<1x128x128xf32, #tpu.memory_space<vmem>> -> memref<128x128xf32, #tpu.memory_space<vmem>>
      %dma_start3A_166 = tpu.memref_slice %arg5[%select_n3A, %mul3A_160] : memref<20x512xi32, #tpu.memory_space<vmem>> -> memref<1x128xi32, #tpu.memory_space<vmem>>
      %dma_start3A_167 = tpu.memref_squeeze %dma_start3A_166 : memref<1x128xi32, #tpu.memory_space<vmem>> -> memref<128xi32, #tpu.memory_space<vmem>>
      %dma_start3A_168 = arith.constant 0 : i32
      %dma_start3A_169 = arith.constant 0 : i32
      %dma_start3A_170 = tpu.memref_slice %arg7[%dma_start3A_168, %dma_start3A_169] : memref<1001x128xf32, #tpu.memory_space<vmem_shared>> -> memref<1001x128xf32, #tpu.memory_space<vmem_shared>>
      %dma_start3A_171 = tpu.memref_slice %arg8[%dma_start3A_161] : memref<5x!tpu.dma_semaphore, #tpu.memory_space<semaphore_mem>> -> memref<1x!tpu.dma_semaphore, #tpu.memory_space<semaphore_mem>>
      %dma_start3A_172 = tpu.memref_squeeze %dma_start3A_171 : memref<1x!tpu.dma_semaphore, #tpu.memory_space<semaphore_mem>> -> memref<!tpu.dma_semaphore, #tpu.memory_space<semaphore_mem>>
      tpu.enqueue_indirect_dma source(%dma_start3A_170 : memref<1001x128xf32, #tpu.memory_space<vmem_shared>>) target(%dma_start3A_165 : memref<128x128xf32, #tpu.memory_space<vmem>>) offsets(%dma_start3A_167 : memref<128xi32, #tpu.memory_space<vmem>>) semaphore(%dma_start3A_172 : memref<!tpu.dma_semaphore, #tpu.memory_space<semaphore_mem>>)
      %mul3A_173 = arith.constant 5 : i32
      %mul3A_174 = arith.muli %scan3A_118, %mul3A_173 : i32
      %add3A_175 = arith.constant 1 : i32
      %add3A_176 = arith.addi %mul3A_174, %add3A_175 : i32
      %ge3A_177 = arith.constant 5 : i32
      %ge3A_178 = arith.cmpi sge, %add3A_176, %ge3A_177 : i32
      %convert_element_type3A_179 = arith.extui %ge3A_178 : i1 to i32
      %cond3A_180 = arith.constant 0 : i32
      %cond3A_181 = arith.cmpi ne, %convert_element_type3A_179, %cond3A_180 : i32
      scf.if %cond3A_181 {
        %sub3A_819 = arith.constant 5 : i32
        %sub3A_820 = arith.subi %add3A_176, %sub3A_819 : i32
        %jit3A_821 = arith.constant 4 : i32
        %div3A_822 = arith.divsi %sub3A_820, %jit3A_821 : i32
        %sign3A_823 = arith.constant 0 : i32
        %sign3A_824 = arith.cmpi sgt, %sub3A_820, %sign3A_823 : i32
        %sign3A_825 = arith.extui %sign3A_824 : i1 to i32
        %sign3A_826 = arith.constant 0 : i32
        %sign3A_827 = arith.cmpi slt, %sub3A_820, %sign3A_826 : i32
        %sign3A_828 = arith.extui %sign3A_827 : i1 to i32
        %sign3A_829 = arith.subi %sign3A_825, %sign3A_828 : i32
        %sign3A_830 = arith.constant 0 : i32
        %sign3A_831 = arith.cmpi sgt, %jit3A_821, %sign3A_830 : i32
        %sign3A_832 = arith.extui %sign3A_831 : i1 to i32
        %sign3A_833 = arith.constant 0 : i32
        %sign3A_834 = arith.cmpi slt, %jit3A_821, %sign3A_833 : i32
        %sign3A_835 = arith.extui %sign3A_834 : i1 to i32
        %sign3A_836 = arith.subi %sign3A_832, %sign3A_835 : i32
        %ne3A_837 = arith.cmpi ne, %sign3A_829, %sign3A_836 : i32
        %rem3A_838 = arith.remsi %sub3A_820, %jit3A_821 : i32
        %ne3A_839 = arith.constant 0 : i32
        %ne3A_840 = arith.cmpi ne, %rem3A_838, %ne3A_839 : i32
        %and3A_841 = arith.andi %ne3A_837, %ne3A_840 : i1
        %sub3A_842 = arith.constant 1 : i32
        %sub3A_843 = arith.subi %div3A_822, %sub3A_842 : i32
        %select_n3A_844 = arith.select %and3A_841, %sub3A_843, %div3A_822 : i32
        %jit3A_845 = arith.constant 4 : i32
        %eq3A_846 = arith.constant 0 : i32
        %eq3A_847 = arith.cmpi eq, %jit3A_845, %eq3A_846 : i32
        %jit3A_848 = arith.constant 1 : i32
        %select_n3A_849 = arith.select %eq3A_847, %jit3A_848, %jit3A_845 : i32
        %rem3A_850 = arith.remsi %sub3A_820, %select_n3A_849 : i32
        %ne3A_851 = arith.constant 0 : i32
        %ne3A_852 = arith.cmpi ne, %rem3A_850, %ne3A_851 : i32
        %lt3A_853 = arith.constant 0 : i32
        %lt3A_854 = arith.cmpi slt, %rem3A_850, %lt3A_853 : i32
        %lt3A_855 = arith.constant 0 : i32
        %lt3A_856 = arith.cmpi slt, %select_n3A_849, %lt3A_855 : i32
        %ne3A_857 = arith.xori %lt3A_854, %lt3A_856 : i1
        %and3A_858 = arith.andi %ne3A_857, %ne3A_852 : i1
        %add3A_859 = arith.addi %rem3A_850, %select_n3A_849 : i32
        %select_n3A_860 = arith.select %and3A_858, %add3A_859, %rem3A_850 : i32
        %mul3A_861 = arith.constant 128 : i32
        %mul3A_862 = arith.muli %select_n3A_860, %mul3A_861 : i32
        %add3A_863 = arith.addi %mul3A_2, %mul3A_862 : i32
        %dma_wait3A_864 = arith.constant 1 : i32
        %dma_wait3A_865 = arith.constant 1 : i32
        %dma_wait3A_866 = arith.constant 0 : i32
        %dma_wait3A_867 = arith.constant 0 : i32
        %dma_wait3A_868 = tpu.memref_slice %arg6[%dma_wait3A_864, %dma_wait3A_866, %dma_wait3A_867] : memref<5x128x128xf32, #tpu.memory_space<vmem>> -> memref<1x128x128xf32, #tpu.memory_space<vmem>>
        %dma_wait3A_869 = tpu.memref_squeeze %dma_wait3A_868 : memref<1x128x128xf32, #tpu.memory_space<vmem>> -> memref<128x128xf32, #tpu.memory_space<vmem>>
        %dma_wait3A_870 = arith.constant 0 : i32
        %dma_wait3A_871 = tpu.memref_slice %arg4[%select_n3A_844, %add3A_863, %dma_wait3A_870] : memref<20x16384x128xf32, #tpu.memory_space<hbm>> -> memref<1x128x128xf32, #tpu.memory_space<hbm>>
        %dma_wait3A_872 = tpu.memref_squeeze %dma_wait3A_871 : memref<1x128x128xf32, #tpu.memory_space<hbm>> -> memref<128x128xf32, #tpu.memory_space<hbm>>
        %dma_wait3A_873 = tpu.memref_slice %arg9[%dma_wait3A_865] : memref<5x!tpu.dma_semaphore, #tpu.memory_space<semaphore_mem>> -> memref<1x!tpu.dma_semaphore, #tpu.memory_space<semaphore_mem>>
        %dma_wait3A_874 = tpu.memref_squeeze %dma_wait3A_873 : memref<1x!tpu.dma_semaphore, #tpu.memory_space<semaphore_mem>> -> memref<!tpu.dma_semaphore, #tpu.memory_space<semaphore_mem>>
        %dma_wait3A_875 = arith.constant 0 : i32
        %dma_wait3A_876 = tpu.memref_slice %arg4[%select_n3A_844, %add3A_863, %dma_wait3A_875] : memref<20x16384x128xf32, #tpu.memory_space<hbm>> -> memref<1x128x128xf32, #tpu.memory_space<hbm>>
        %dma_wait3A_877 = tpu.memref_squeeze %dma_wait3A_876 : memref<1x128x128xf32, #tpu.memory_space<hbm>> -> memref<128x128xf32, #tpu.memory_space<hbm>>
        %dma_wait3A_878 = arith.constant 0 : i32
        %dma_wait3A_879 = arith.constant 0 : i32
        %dma_wait3A_880 = tpu.memref_slice %arg6[%dma_wait3A_864, %dma_wait3A_878, %dma_wait3A_879] : memref<5x128x128xf32, #tpu.memory_space<vmem>> -> memref<1x128x128xf32, #tpu.memory_space<vmem>>
        %dma_wait3A_881 = tpu.memref_squeeze %dma_wait3A_880 : memref<1x128x128xf32, #tpu.memory_space<vmem>> -> memref<128x128xf32, #tpu.memory_space<vmem>>
        tpu.wait_dma2 semaphore(%dma_wait3A_874 : memref<!tpu.dma_semaphore, #tpu.memory_space<semaphore_mem>>) src(%dma_wait3A_881 : memref<128x128xf32, #tpu.memory_space<vmem>>) dst(%dma_wait3A_877 : memref<128x128xf32, #tpu.memory_space<hbm>>)
      } else {
      }
      %jit3A_182 = arith.constant 4 : i32
      %div3A_183 = arith.divsi %add3A_176, %jit3A_182 : i32
      %sign3A_184 = arith.constant 0 : i32
      %sign3A_185 = arith.cmpi sgt, %add3A_176, %sign3A_184 : i32
      %sign3A_186 = arith.extui %sign3A_185 : i1 to i32
      %sign3A_187 = arith.constant 0 : i32
      %sign3A_188 = arith.cmpi slt, %add3A_176, %sign3A_187 : i32
      %sign3A_189 = arith.extui %sign3A_188 : i1 to i32
      %sign3A_190 = arith.subi %sign3A_186, %sign3A_189 : i32
      %sign3A_191 = arith.constant 0 : i32
      %sign3A_192 = arith.cmpi sgt, %jit3A_182, %sign3A_191 : i32
      %sign3A_193 = arith.extui %sign3A_192 : i1 to i32
      %sign3A_194 = arith.constant 0 : i32
      %sign3A_195 = arith.cmpi slt, %jit3A_182, %sign3A_194 : i32
      %sign3A_196 = arith.extui %sign3A_195 : i1 to i32
      %sign3A_197 = arith.subi %sign3A_193, %sign3A_196 : i32
      %ne3A_198 = arith.cmpi ne, %sign3A_190, %sign3A_197 : i32
      %rem3A_199 = arith.remsi %add3A_176, %jit3A_182 : i32
      %ne3A_200 = arith.constant 0 : i32
      %ne3A_201 = arith.cmpi ne, %rem3A_199, %ne3A_200 : i32
      %and3A_202 = arith.andi %ne3A_198, %ne3A_201 : i1
      %sub3A_203 = arith.constant 1 : i32
      %sub3A_204 = arith.subi %div3A_183, %sub3A_203 : i32
      %select_n3A_205 = arith.select %and3A_202, %sub3A_204, %div3A_183 : i32
      %jit3A_206 = arith.constant 4 : i32
      %eq3A_207 = arith.constant 0 : i32
      %eq3A_208 = arith.cmpi eq, %jit3A_206, %eq3A_207 : i32
      %jit3A_209 = arith.constant 1 : i32
      %select_n3A_210 = arith.select %eq3A_208, %jit3A_209, %jit3A_206 : i32
      %rem3A_211 = arith.remsi %add3A_176, %select_n3A_210 : i32
      %ne3A_212 = arith.constant 0 : i32
      %ne3A_213 = arith.cmpi ne, %rem3A_211, %ne3A_212 : i32
      %lt3A_214 = arith.constant 0 : i32
      %lt3A_215 = arith.cmpi slt, %rem3A_211, %lt3A_214 : i32
      %lt3A_216 = arith.constant 0 : i32
      %lt3A_217 = arith.cmpi slt, %select_n3A_210, %lt3A_216 : i32
      %ne3A_218 = arith.xori %lt3A_215, %lt3A_217 : i1
      %and3A_219 = arith.andi %ne3A_218, %ne3A_213 : i1
      %add3A_220 = arith.addi %rem3A_211, %select_n3A_210 : i32
      %select_n3A_221 = arith.select %and3A_219, %add3A_220, %rem3A_211 : i32
      %mul3A_222 = arith.constant 128 : i32
      %mul3A_223 = arith.muli %select_n3A_221, %mul3A_222 : i32
      %dma_start3A_224 = arith.constant 1 : i32
      %dma_start3A_225 = arith.constant 1 : i32
      %dma_start3A_226 = arith.constant 0 : i32
      %dma_start3A_227 = arith.constant 0 : i32
      %dma_start3A_228 = tpu.memref_slice %arg6[%dma_start3A_224, %dma_start3A_226, %dma_start3A_227] : memref<5x128x128xf32, #tpu.memory_space<vmem>> -> memref<1x128x128xf32, #tpu.memory_space<vmem>>
      %dma_start3A_229 = tpu.memref_squeeze %dma_start3A_228 : memref<1x128x128xf32, #tpu.memory_space<vmem>> -> memref<128x128xf32, #tpu.memory_space<vmem>>
      %dma_start3A_230 = tpu.memref_slice %arg5[%select_n3A_205, %mul3A_223] : memref<20x512xi32, #tpu.memory_space<vmem>> -> memref<1x128xi32, #tpu.memory_space<vmem>>
      %dma_start3A_231 = tpu.memref_squeeze %dma_start3A_230 : memref<1x128xi32, #tpu.memory_space<vmem>> -> memref<128xi32, #tpu.memory_space<vmem>>
      %dma_start3A_232 = arith.constant 0 : i32
      %dma_start3A_233 = arith.constant 0 : i32
      %dma_start3A_234 = tpu.memref_slice %arg7[%dma_start3A_232, %dma_start3A_233] : memref<1001x128xf32, #tpu.memory_space<vmem_shared>> -> memref<1001x128xf32, #tpu.memory_space<vmem_shared>>
      %dma_start3A_235 = tpu.memref_slice %arg8[%dma_start3A_225] : memref<5x!tpu.dma_semaphore, #tpu.memory_space<semaphore_mem>> -> memref<1x!tpu.dma_semaphore, #tpu.memory_space<semaphore_mem>>
      %dma_start3A_236 = tpu.memref_squeeze %dma_start3A_235 : memref<1x!tpu.dma_semaphore, #tpu.memory_space<semaphore_mem>> -> memref<!tpu.dma_semaphore, #tpu.memory_space<semaphore_mem>>
      tpu.enqueue_indirect_dma source(%dma_start3A_234 : memref<1001x128xf32, #tpu.memory_space<vmem_shared>>) target(%dma_start3A_229 : memref<128x128xf32, #tpu.memory_space<vmem>>) offsets(%dma_start3A_231 : memref<128xi32, #tpu.memory_space<vmem>>) semaphore(%dma_start3A_236 : memref<!tpu.dma_semaphore, #tpu.memory_space<semaphore_mem>>)
      %mul3A_237 = arith.constant 5 : i32
      %mul3A_238 = arith.muli %scan3A_118, %mul3A_237 : i32
      %add3A_239 = arith.constant 2 : i32
      %add3A_240 = arith.addi %mul3A_238, %add3A_239 : i32
      %ge3A_241 = arith.constant 5 : i32
      %ge3A_242 = arith.cmpi sge, %add3A_240, %ge3A_241 : i32
      %convert_element_type3A_243 = arith.extui %ge3A_242 : i1 to i32
      %cond3A_244 = arith.constant 0 : i32
      %cond3A_245 = arith.cmpi ne, %convert_element_type3A_243, %cond3A_244 : i32
      scf.if %cond3A_245 {
        %sub3A_819 = arith.constant 5 : i32
        %sub3A_820 = arith.subi %add3A_240, %sub3A_819 : i32
        %jit3A_821 = arith.constant 4 : i32
        %div3A_822 = arith.divsi %sub3A_820, %jit3A_821 : i32
        %sign3A_823 = arith.constant 0 : i32
        %sign3A_824 = arith.cmpi sgt, %sub3A_820, %sign3A_823 : i32
        %sign3A_825 = arith.extui %sign3A_824 : i1 to i32
        %sign3A_826 = arith.constant 0 : i32
        %sign3A_827 = arith.cmpi slt, %sub3A_820, %sign3A_826 : i32
        %sign3A_828 = arith.extui %sign3A_827 : i1 to i32
        %sign3A_829 = arith.subi %sign3A_825, %sign3A_828 : i32
        %sign3A_830 = arith.constant 0 : i32
        %sign3A_831 = arith.cmpi sgt, %jit3A_821, %sign3A_830 : i32
        %sign3A_832 = arith.extui %sign3A_831 : i1 to i32
        %sign3A_833 = arith.constant 0 : i32
        %sign3A_834 = arith.cmpi slt, %jit3A_821, %sign3A_833 : i32
        %sign3A_835 = arith.extui %sign3A_834 : i1 to i32
        %sign3A_836 = arith.subi %sign3A_832, %sign3A_835 : i32
        %ne3A_837 = arith.cmpi ne, %sign3A_829, %sign3A_836 : i32
        %rem3A_838 = arith.remsi %sub3A_820, %jit3A_821 : i32
        %ne3A_839 = arith.constant 0 : i32
        %ne3A_840 = arith.cmpi ne, %rem3A_838, %ne3A_839 : i32
        %and3A_841 = arith.andi %ne3A_837, %ne3A_840 : i1
        %sub3A_842 = arith.constant 1 : i32
        %sub3A_843 = arith.subi %div3A_822, %sub3A_842 : i32
        %select_n3A_844 = arith.select %and3A_841, %sub3A_843, %div3A_822 : i32
        %jit3A_845 = arith.constant 4 : i32
        %eq3A_846 = arith.constant 0 : i32
        %eq3A_847 = arith.cmpi eq, %jit3A_845, %eq3A_846 : i32
        %jit3A_848 = arith.constant 1 : i32
        %select_n3A_849 = arith.select %eq3A_847, %jit3A_848, %jit3A_845 : i32
        %rem3A_850 = arith.remsi %sub3A_820, %select_n3A_849 : i32
        %ne3A_851 = arith.constant 0 : i32
        %ne3A_852 = arith.cmpi ne, %rem3A_850, %ne3A_851 : i32
        %lt3A_853 = arith.constant 0 : i32
        %lt3A_854 = arith.cmpi slt, %rem3A_850, %lt3A_853 : i32
        %lt3A_855 = arith.constant 0 : i32
        %lt3A_856 = arith.cmpi slt, %select_n3A_849, %lt3A_855 : i32
        %ne3A_857 = arith.xori %lt3A_854, %lt3A_856 : i1
        %and3A_858 = arith.andi %ne3A_857, %ne3A_852 : i1
        %add3A_859 = arith.addi %rem3A_850, %select_n3A_849 : i32
        %select_n3A_860 = arith.select %and3A_858, %add3A_859, %rem3A_850 : i32
        %mul3A_861 = arith.constant 128 : i32
        %mul3A_862 = arith.muli %select_n3A_860, %mul3A_861 : i32
        %add3A_863 = arith.addi %mul3A_2, %mul3A_862 : i32
        %dma_wait3A_864 = arith.constant 2 : i32
        %dma_wait3A_865 = arith.constant 2 : i32
        %dma_wait3A_866 = arith.constant 0 : i32
        %dma_wait3A_867 = arith.constant 0 : i32
        %dma_wait3A_868 = tpu.memref_slice %arg6[%dma_wait3A_864, %dma_wait3A_866, %dma_wait3A_867] : memref<5x128x128xf32, #tpu.memory_space<vmem>> -> memref<1x128x128xf32, #tpu.memory_space<vmem>>
        %dma_wait3A_869 = tpu.memref_squeeze %dma_wait3A_868 : memref<1x128x128xf32, #tpu.memory_space<vmem>> -> memref<128x128xf32, #tpu.memory_space<vmem>>
        %dma_wait3A_870 = arith.constant 0 : i32
        %dma_wait3A_871 = tpu.memref_slice %arg4[%select_n3A_844, %add3A_863, %dma_wait3A_870] : memref<20x16384x128xf32, #tpu.memory_space<hbm>> -> memref<1x128x128xf32, #tpu.memory_space<hbm>>
        %dma_wait3A_872 = tpu.memref_squeeze %dma_wait3A_871 : memref<1x128x128xf32, #tpu.memory_space<hbm>> -> memref<128x128xf32, #tpu.memory_space<hbm>>
        %dma_wait3A_873 = tpu.memref_slice %arg9[%dma_wait3A_865] : memref<5x!tpu.dma_semaphore, #tpu.memory_space<semaphore_mem>> -> memref<1x!tpu.dma_semaphore, #tpu.memory_space<semaphore_mem>>
        %dma_wait3A_874 = tpu.memref_squeeze %dma_wait3A_873 : memref<1x!tpu.dma_semaphore, #tpu.memory_space<semaphore_mem>> -> memref<!tpu.dma_semaphore, #tpu.memory_space<semaphore_mem>>
        %dma_wait3A_875 = arith.constant 0 : i32
        %dma_wait3A_876 = tpu.memref_slice %arg4[%select_n3A_844, %add3A_863, %dma_wait3A_875] : memref<20x16384x128xf32, #tpu.memory_space<hbm>> -> memref<1x128x128xf32, #tpu.memory_space<hbm>>
        %dma_wait3A_877 = tpu.memref_squeeze %dma_wait3A_876 : memref<1x128x128xf32, #tpu.memory_space<hbm>> -> memref<128x128xf32, #tpu.memory_space<hbm>>
        %dma_wait3A_878 = arith.constant 0 : i32
        %dma_wait3A_879 = arith.constant 0 : i32
        %dma_wait3A_880 = tpu.memref_slice %arg6[%dma_wait3A_864, %dma_wait3A_878, %dma_wait3A_879] : memref<5x128x128xf32, #tpu.memory_space<vmem>> -> memref<1x128x128xf32, #tpu.memory_space<vmem>>
        %dma_wait3A_881 = tpu.memref_squeeze %dma_wait3A_880 : memref<1x128x128xf32, #tpu.memory_space<vmem>> -> memref<128x128xf32, #tpu.memory_space<vmem>>
        tpu.wait_dma2 semaphore(%dma_wait3A_874 : memref<!tpu.dma_semaphore, #tpu.memory_space<semaphore_mem>>) src(%dma_wait3A_881 : memref<128x128xf32, #tpu.memory_space<vmem>>) dst(%dma_wait3A_877 : memref<128x128xf32, #tpu.memory_space<hbm>>)
      } else {
      }
      %jit3A_246 = arith.constant 4 : i32
      %div3A_247 = arith.divsi %add3A_240, %jit3A_246 : i32
      %sign3A_248 = arith.constant 0 : i32
      %sign3A_249 = arith.cmpi sgt, %add3A_240, %sign3A_248 : i32
      %sign3A_250 = arith.extui %sign3A_249 : i1 to i32
      %sign3A_251 = arith.constant 0 : i32
      %sign3A_252 = arith.cmpi slt, %add3A_240, %sign3A_251 : i32
      %sign3A_253 = arith.extui %sign3A_252 : i1 to i32
      %sign3A_254 = arith.subi %sign3A_250, %sign3A_253 : i32
      %sign3A_255 = arith.constant 0 : i32
      %sign3A_256 = arith.cmpi sgt, %jit3A_246, %sign3A_255 : i32
      %sign3A_257 = arith.extui %sign3A_256 : i1 to i32
      %sign3A_258 = arith.constant 0 : i32
      %sign3A_259 = arith.cmpi slt, %jit3A_246, %sign3A_258 : i32
      %sign3A_260 = arith.extui %sign3A_259 : i1 to i32
      %sign3A_261 = arith.subi %sign3A_257, %sign3A_260 : i32
      %ne3A_262 = arith.cmpi ne, %sign3A_254, %sign3A_261 : i32
      %rem3A_263 = arith.remsi %add3A_240, %jit3A_246 : i32
      %ne3A_264 = arith.constant 0 : i32
      %ne3A_265 = arith.cmpi ne, %rem3A_263, %ne3A_264 : i32
      %and3A_266 = arith.andi %ne3A_262, %ne3A_265 : i1
      %sub3A_267 = arith.constant 1 : i32
      %sub3A_268 = arith.subi %div3A_247, %sub3A_267 : i32
      %select_n3A_269 = arith.select %and3A_266, %sub3A_268, %div3A_247 : i32
      %jit3A_270 = arith.constant 4 : i32
      %eq3A_271 = arith.constant 0 : i32
      %eq3A_272 = arith.cmpi eq, %jit3A_270, %eq3A_271 : i32
      %jit3A_273 = arith.constant 1 : i32
      %select_n3A_274 = arith.select %eq3A_272, %jit3A_273, %jit3A_270 : i32
      %rem3A_275 = arith.remsi %add3A_240, %select_n3A_274 : i32
      %ne3A_276 = arith.constant 0 : i32
      %ne3A_277 = arith.cmpi ne, %rem3A_275, %ne3A_276 : i32
      %lt3A_278 = arith.constant 0 : i32
      %lt3A_279 = arith.cmpi slt, %rem3A_275, %lt3A_278 : i32
      %lt3A_280 = arith.constant 0 : i32
      %lt3A_281 = arith.cmpi slt, %select_n3A_274, %lt3A_280 : i32
      %ne3A_282 = arith.xori %lt3A_279, %lt3A_281 : i1
      %and3A_283 = arith.andi %ne3A_282, %ne3A_277 : i1
      %add3A_284 = arith.addi %rem3A_275, %select_n3A_274 : i32
      %select_n3A_285 = arith.select %and3A_283, %add3A_284, %rem3A_275 : i32
      %mul3A_286 = arith.constant 128 : i32
      %mul3A_287 = arith.muli %select_n3A_285, %mul3A_286 : i32
      %dma_start3A_288 = arith.constant 2 : i32
      %dma_start3A_289 = arith.constant 2 : i32
      %dma_start3A_290 = arith.constant 0 : i32
      %dma_start3A_291 = arith.constant 0 : i32
      %dma_start3A_292 = tpu.memref_slice %arg6[%dma_start3A_288, %dma_start3A_290, %dma_start3A_291] : memref<5x128x128xf32, #tpu.memory_space<vmem>> -> memref<1x128x128xf32, #tpu.memory_space<vmem>>
      %dma_start3A_293 = tpu.memref_squeeze %dma_start3A_292 : memref<1x128x128xf32, #tpu.memory_space<vmem>> -> memref<128x128xf32, #tpu.memory_space<vmem>>
      %dma_start3A_294 = tpu.memref_slice %arg5[%select_n3A_269, %mul3A_287] : memref<20x512xi32, #tpu.memory_space<vmem>> -> memref<1x128xi32, #tpu.memory_space<vmem>>
      %dma_start3A_295 = tpu.memref_squeeze %dma_start3A_294 : memref<1x128xi32, #tpu.memory_space<vmem>> -> memref<128xi32, #tpu.memory_space<vmem>>
      %dma_start3A_296 = arith.constant 0 : i32
      %dma_start3A_297 = arith.constant 0 : i32
      %dma_start3A_298 = tpu.memref_slice %arg7[%dma_start3A_296, %dma_start3A_297] : memref<1001x128xf32, #tpu.memory_space<vmem_shared>> -> memref<1001x128xf32, #tpu.memory_space<vmem_shared>>
      %dma_start3A_299 = tpu.memref_slice %arg8[%dma_start3A_289] : memref<5x!tpu.dma_semaphore, #tpu.memory_space<semaphore_mem>> -> memref<1x!tpu.dma_semaphore, #tpu.memory_space<semaphore_mem>>
      %dma_start3A_300 = tpu.memref_squeeze %dma_start3A_299 : memref<1x!tpu.dma_semaphore, #tpu.memory_space<semaphore_mem>> -> memref<!tpu.dma_semaphore, #tpu.memory_space<semaphore_mem>>
      tpu.enqueue_indirect_dma source(%dma_start3A_298 : memref<1001x128xf32, #tpu.memory_space<vmem_shared>>) target(%dma_start3A_293 : memref<128x128xf32, #tpu.memory_space<vmem>>) offsets(%dma_start3A_295 : memref<128xi32, #tpu.memory_space<vmem>>) semaphore(%dma_start3A_300 : memref<!tpu.dma_semaphore, #tpu.memory_space<semaphore_mem>>)
      %mul3A_301 = arith.constant 5 : i32
      %mul3A_302 = arith.muli %scan3A_118, %mul3A_301 : i32
      %add3A_303 = arith.constant 3 : i32
      %add3A_304 = arith.addi %mul3A_302, %add3A_303 : i32
      %ge3A_305 = arith.constant 5 : i32
      %ge3A_306 = arith.cmpi sge, %add3A_304, %ge3A_305 : i32
      %convert_element_type3A_307 = arith.extui %ge3A_306 : i1 to i32
      %cond3A_308 = arith.constant 0 : i32
      %cond3A_309 = arith.cmpi ne, %convert_element_type3A_307, %cond3A_308 : i32
      scf.if %cond3A_309 {
        %sub3A_819 = arith.constant 5 : i32
        %sub3A_820 = arith.subi %add3A_304, %sub3A_819 : i32
        %jit3A_821 = arith.constant 4 : i32
        %div3A_822 = arith.divsi %sub3A_820, %jit3A_821 : i32
        %sign3A_823 = arith.constant 0 : i32
        %sign3A_824 = arith.cmpi sgt, %sub3A_820, %sign3A_823 : i32
        %sign3A_825 = arith.extui %sign3A_824 : i1 to i32
        %sign3A_826 = arith.constant 0 : i32
        %sign3A_827 = arith.cmpi slt, %sub3A_820, %sign3A_826 : i32
        %sign3A_828 = arith.extui %sign3A_827 : i1 to i32
        %sign3A_829 = arith.subi %sign3A_825, %sign3A_828 : i32
        %sign3A_830 = arith.constant 0 : i32
        %sign3A_831 = arith.cmpi sgt, %jit3A_821, %sign3A_830 : i32
        %sign3A_832 = arith.extui %sign3A_831 : i1 to i32
        %sign3A_833 = arith.constant 0 : i32
        %sign3A_834 = arith.cmpi slt, %jit3A_821, %sign3A_833 : i32
        %sign3A_835 = arith.extui %sign3A_834 : i1 to i32
        %sign3A_836 = arith.subi %sign3A_832, %sign3A_835 : i32
        %ne3A_837 = arith.cmpi ne, %sign3A_829, %sign3A_836 : i32
        %rem3A_838 = arith.remsi %sub3A_820, %jit3A_821 : i32
        %ne3A_839 = arith.constant 0 : i32
        %ne3A_840 = arith.cmpi ne, %rem3A_838, %ne3A_839 : i32
        %and3A_841 = arith.andi %ne3A_837, %ne3A_840 : i1
        %sub3A_842 = arith.constant 1 : i32
        %sub3A_843 = arith.subi %div3A_822, %sub3A_842 : i32
        %select_n3A_844 = arith.select %and3A_841, %sub3A_843, %div3A_822 : i32
        %jit3A_845 = arith.constant 4 : i32
        %eq3A_846 = arith.constant 0 : i32
        %eq3A_847 = arith.cmpi eq, %jit3A_845, %eq3A_846 : i32
        %jit3A_848 = arith.constant 1 : i32
        %select_n3A_849 = arith.select %eq3A_847, %jit3A_848, %jit3A_845 : i32
        %rem3A_850 = arith.remsi %sub3A_820, %select_n3A_849 : i32
        %ne3A_851 = arith.constant 0 : i32
        %ne3A_852 = arith.cmpi ne, %rem3A_850, %ne3A_851 : i32
        %lt3A_853 = arith.constant 0 : i32
        %lt3A_854 = arith.cmpi slt, %rem3A_850, %lt3A_853 : i32
        %lt3A_855 = arith.constant 0 : i32
        %lt3A_856 = arith.cmpi slt, %select_n3A_849, %lt3A_855 : i32
        %ne3A_857 = arith.xori %lt3A_854, %lt3A_856 : i1
        %and3A_858 = arith.andi %ne3A_857, %ne3A_852 : i1
        %add3A_859 = arith.addi %rem3A_850, %select_n3A_849 : i32
        %select_n3A_860 = arith.select %and3A_858, %add3A_859, %rem3A_850 : i32
        %mul3A_861 = arith.constant 128 : i32
        %mul3A_862 = arith.muli %select_n3A_860, %mul3A_861 : i32
        %add3A_863 = arith.addi %mul3A_2, %mul3A_862 : i32
        %dma_wait3A_864 = arith.constant 3 : i32
        %dma_wait3A_865 = arith.constant 3 : i32
        %dma_wait3A_866 = arith.constant 0 : i32
        %dma_wait3A_867 = arith.constant 0 : i32
        %dma_wait3A_868 = tpu.memref_slice %arg6[%dma_wait3A_864, %dma_wait3A_866, %dma_wait3A_867] : memref<5x128x128xf32, #tpu.memory_space<vmem>> -> memref<1x128x128xf32, #tpu.memory_space<vmem>>
        %dma_wait3A_869 = tpu.memref_squeeze %dma_wait3A_868 : memref<1x128x128xf32, #tpu.memory_space<vmem>> -> memref<128x128xf32, #tpu.memory_space<vmem>>
        %dma_wait3A_870 = arith.constant 0 : i32
        %dma_wait3A_871 = tpu.memref_slice %arg4[%select_n3A_844, %add3A_863, %dma_wait3A_870] : memref<20x16384x128xf32, #tpu.memory_space<hbm>> -> memref<1x128x128xf32, #tpu.memory_space<hbm>>
        %dma_wait3A_872 = tpu.memref_squeeze %dma_wait3A_871 : memref<1x128x128xf32, #tpu.memory_space<hbm>> -> memref<128x128xf32, #tpu.memory_space<hbm>>
        %dma_wait3A_873 = tpu.memref_slice %arg9[%dma_wait3A_865] : memref<5x!tpu.dma_semaphore, #tpu.memory_space<semaphore_mem>> -> memref<1x!tpu.dma_semaphore, #tpu.memory_space<semaphore_mem>>
        %dma_wait3A_874 = tpu.memref_squeeze %dma_wait3A_873 : memref<1x!tpu.dma_semaphore, #tpu.memory_space<semaphore_mem>> -> memref<!tpu.dma_semaphore, #tpu.memory_space<semaphore_mem>>
        %dma_wait3A_875 = arith.constant 0 : i32
        %dma_wait3A_876 = tpu.memref_slice %arg4[%select_n3A_844, %add3A_863, %dma_wait3A_875] : memref<20x16384x128xf32, #tpu.memory_space<hbm>> -> memref<1x128x128xf32, #tpu.memory_space<hbm>>
        %dma_wait3A_877 = tpu.memref_squeeze %dma_wait3A_876 : memref<1x128x128xf32, #tpu.memory_space<hbm>> -> memref<128x128xf32, #tpu.memory_space<hbm>>
        %dma_wait3A_878 = arith.constant 0 : i32
        %dma_wait3A_879 = arith.constant 0 : i32
        %dma_wait3A_880 = tpu.memref_slice %arg6[%dma_wait3A_864, %dma_wait3A_878, %dma_wait3A_879] : memref<5x128x128xf32, #tpu.memory_space<vmem>> -> memref<1x128x128xf32, #tpu.memory_space<vmem>>
        %dma_wait3A_881 = tpu.memref_squeeze %dma_wait3A_880 : memref<1x128x128xf32, #tpu.memory_space<vmem>> -> memref<128x128xf32, #tpu.memory_space<vmem>>
        tpu.wait_dma2 semaphore(%dma_wait3A_874 : memref<!tpu.dma_semaphore, #tpu.memory_space<semaphore_mem>>) src(%dma_wait3A_881 : memref<128x128xf32, #tpu.memory_space<vmem>>) dst(%dma_wait3A_877 : memref<128x128xf32, #tpu.memory_space<hbm>>)
      } else {
      }
      %jit3A_310 = arith.constant 4 : i32
      %div3A_311 = arith.divsi %add3A_304, %jit3A_310 : i32
      %sign3A_312 = arith.constant 0 : i32
      %sign3A_313 = arith.cmpi sgt, %add3A_304, %sign3A_312 : i32
      %sign3A_314 = arith.extui %sign3A_313 : i1 to i32
      %sign3A_315 = arith.constant 0 : i32
      %sign3A_316 = arith.cmpi slt, %add3A_304, %sign3A_315 : i32
      %sign3A_317 = arith.extui %sign3A_316 : i1 to i32
      %sign3A_318 = arith.subi %sign3A_314, %sign3A_317 : i32
      %sign3A_319 = arith.constant 0 : i32
      %sign3A_320 = arith.cmpi sgt, %jit3A_310, %sign3A_319 : i32
      %sign3A_321 = arith.extui %sign3A_320 : i1 to i32
      %sign3A_322 = arith.constant 0 : i32
      %sign3A_323 = arith.cmpi slt, %jit3A_310, %sign3A_322 : i32
      %sign3A_324 = arith.extui %sign3A_323 : i1 to i32
      %sign3A_325 = arith.subi %sign3A_321, %sign3A_324 : i32
      %ne3A_326 = arith.cmpi ne, %sign3A_318, %sign3A_325 : i32
      %rem3A_327 = arith.remsi %add3A_304, %jit3A_310 : i32
      %ne3A_328 = arith.constant 0 : i32
      %ne3A_329 = arith.cmpi ne, %rem3A_327, %ne3A_328 : i32
      %and3A_330 = arith.andi %ne3A_326, %ne3A_329 : i1
      %sub3A_331 = arith.constant 1 : i32
      %sub3A_332 = arith.subi %div3A_311, %sub3A_331 : i32
      %select_n3A_333 = arith.select %and3A_330, %sub3A_332, %div3A_311 : i32
      %jit3A_334 = arith.constant 4 : i32
      %eq3A_335 = arith.constant 0 : i32
      %eq3A_336 = arith.cmpi eq, %jit3A_334, %eq3A_335 : i32
      %jit3A_337 = arith.constant 1 : i32
      %select_n3A_338 = arith.select %eq3A_336, %jit3A_337, %jit3A_334 : i32
      %rem3A_339 = arith.remsi %add3A_304, %select_n3A_338 : i32
      %ne3A_340 = arith.constant 0 : i32
      %ne3A_341 = arith.cmpi ne, %rem3A_339, %ne3A_340 : i32
      %lt3A_342 = arith.constant 0 : i32
      %lt3A_343 = arith.cmpi slt, %rem3A_339, %lt3A_342 : i32
      %lt3A_344 = arith.constant 0 : i32
      %lt3A_345 = arith.cmpi slt, %select_n3A_338, %lt3A_344 : i32
      %ne3A_346 = arith.xori %lt3A_343, %lt3A_345 : i1
      %and3A_347 = arith.andi %ne3A_346, %ne3A_341 : i1
      %add3A_348 = arith.addi %rem3A_339, %select_n3A_338 : i32
      %select_n3A_349 = arith.select %and3A_347, %add3A_348, %rem3A_339 : i32
      %mul3A_350 = arith.constant 128 : i32
      %mul3A_351 = arith.muli %select_n3A_349, %mul3A_350 : i32
      %dma_start3A_352 = arith.constant 3 : i32
      %dma_start3A_353 = arith.constant 3 : i32
      %dma_start3A_354 = arith.constant 0 : i32
      %dma_start3A_355 = arith.constant 0 : i32
      %dma_start3A_356 = tpu.memref_slice %arg6[%dma_start3A_352, %dma_start3A_354, %dma_start3A_355] : memref<5x128x128xf32, #tpu.memory_space<vmem>> -> memref<1x128x128xf32, #tpu.memory_space<vmem>>
      %dma_start3A_357 = tpu.memref_squeeze %dma_start3A_356 : memref<1x128x128xf32, #tpu.memory_space<vmem>> -> memref<128x128xf32, #tpu.memory_space<vmem>>
      %dma_start3A_358 = tpu.memref_slice %arg5[%select_n3A_333, %mul3A_351] : memref<20x512xi32, #tpu.memory_space<vmem>> -> memref<1x128xi32, #tpu.memory_space<vmem>>
      %dma_start3A_359 = tpu.memref_squeeze %dma_start3A_358 : memref<1x128xi32, #tpu.memory_space<vmem>> -> memref<128xi32, #tpu.memory_space<vmem>>
      %dma_start3A_360 = arith.constant 0 : i32
      %dma_start3A_361 = arith.constant 0 : i32
      %dma_start3A_362 = tpu.memref_slice %arg7[%dma_start3A_360, %dma_start3A_361] : memref<1001x128xf32, #tpu.memory_space<vmem_shared>> -> memref<1001x128xf32, #tpu.memory_space<vmem_shared>>
      %dma_start3A_363 = tpu.memref_slice %arg8[%dma_start3A_353] : memref<5x!tpu.dma_semaphore, #tpu.memory_space<semaphore_mem>> -> memref<1x!tpu.dma_semaphore, #tpu.memory_space<semaphore_mem>>
      %dma_start3A_364 = tpu.memref_squeeze %dma_start3A_363 : memref<1x!tpu.dma_semaphore, #tpu.memory_space<semaphore_mem>> -> memref<!tpu.dma_semaphore, #tpu.memory_space<semaphore_mem>>
      tpu.enqueue_indirect_dma source(%dma_start3A_362 : memref<1001x128xf32, #tpu.memory_space<vmem_shared>>) target(%dma_start3A_357 : memref<128x128xf32, #tpu.memory_space<vmem>>) offsets(%dma_start3A_359 : memref<128xi32, #tpu.memory_space<vmem>>) semaphore(%dma_start3A_364 : memref<!tpu.dma_semaphore, #tpu.memory_space<semaphore_mem>>)
      %mul3A_365 = arith.constant 5 : i32
      %mul3A_366 = arith.muli %scan3A_118, %mul3A_365 : i32
      %add3A_367 = arith.constant 4 : i32
      %add3A_368 = arith.addi %mul3A_366, %add3A_367 : i32
      %ge3A_369 = arith.constant 5 : i32
      %ge3A_370 = arith.cmpi sge, %add3A_368, %ge3A_369 : i32
      %convert_element_type3A_371 = arith.extui %ge3A_370 : i1 to i32
      %cond3A_372 = arith.constant 0 : i32
      %cond3A_373 = arith.cmpi ne, %convert_element_type3A_371, %cond3A_372 : i32
      scf.if %cond3A_373 {
        %sub3A_819 = arith.constant 5 : i32
        %sub3A_820 = arith.subi %add3A_368, %sub3A_819 : i32
        %jit3A_821 = arith.constant 4 : i32
        %div3A_822 = arith.divsi %sub3A_820, %jit3A_821 : i32
        %sign3A_823 = arith.constant 0 : i32
        %sign3A_824 = arith.cmpi sgt, %sub3A_820, %sign3A_823 : i32
        %sign3A_825 = arith.extui %sign3A_824 : i1 to i32
        %sign3A_826 = arith.constant 0 : i32
        %sign3A_827 = arith.cmpi slt, %sub3A_820, %sign3A_826 : i32
        %sign3A_828 = arith.extui %sign3A_827 : i1 to i32
        %sign3A_829 = arith.subi %sign3A_825, %sign3A_828 : i32
        %sign3A_830 = arith.constant 0 : i32
        %sign3A_831 = arith.cmpi sgt, %jit3A_821, %sign3A_830 : i32
        %sign3A_832 = arith.extui %sign3A_831 : i1 to i32
        %sign3A_833 = arith.constant 0 : i32
        %sign3A_834 = arith.cmpi slt, %jit3A_821, %sign3A_833 : i32
        %sign3A_835 = arith.extui %sign3A_834 : i1 to i32
        %sign3A_836 = arith.subi %sign3A_832, %sign3A_835 : i32
        %ne3A_837 = arith.cmpi ne, %sign3A_829, %sign3A_836 : i32
        %rem3A_838 = arith.remsi %sub3A_820, %jit3A_821 : i32
        %ne3A_839 = arith.constant 0 : i32
        %ne3A_840 = arith.cmpi ne, %rem3A_838, %ne3A_839 : i32
        %and3A_841 = arith.andi %ne3A_837, %ne3A_840 : i1
        %sub3A_842 = arith.constant 1 : i32
        %sub3A_843 = arith.subi %div3A_822, %sub3A_842 : i32
        %select_n3A_844 = arith.select %and3A_841, %sub3A_843, %div3A_822 : i32
        %jit3A_845 = arith.constant 4 : i32
        %eq3A_846 = arith.constant 0 : i32
        %eq3A_847 = arith.cmpi eq, %jit3A_845, %eq3A_846 : i32
        %jit3A_848 = arith.constant 1 : i32
        %select_n3A_849 = arith.select %eq3A_847, %jit3A_848, %jit3A_845 : i32
        %rem3A_850 = arith.remsi %sub3A_820, %select_n3A_849 : i32
        %ne3A_851 = arith.constant 0 : i32
        %ne3A_852 = arith.cmpi ne, %rem3A_850, %ne3A_851 : i32
        %lt3A_853 = arith.constant 0 : i32
        %lt3A_854 = arith.cmpi slt, %rem3A_850, %lt3A_853 : i32
        %lt3A_855 = arith.constant 0 : i32
        %lt3A_856 = arith.cmpi slt, %select_n3A_849, %lt3A_855 : i32
        %ne3A_857 = arith.xori %lt3A_854, %lt3A_856 : i1
        %and3A_858 = arith.andi %ne3A_857, %ne3A_852 : i1
        %add3A_859 = arith.addi %rem3A_850, %select_n3A_849 : i32
        %select_n3A_860 = arith.select %and3A_858, %add3A_859, %rem3A_850 : i32
        %mul3A_861 = arith.constant 128 : i32
        %mul3A_862 = arith.muli %select_n3A_860, %mul3A_861 : i32
        %add3A_863 = arith.addi %mul3A_2, %mul3A_862 : i32
        %dma_wait3A_864 = arith.constant 4 : i32
        %dma_wait3A_865 = arith.constant 4 : i32
        %dma_wait3A_866 = arith.constant 0 : i32
        %dma_wait3A_867 = arith.constant 0 : i32
        %dma_wait3A_868 = tpu.memref_slice %arg6[%dma_wait3A_864, %dma_wait3A_866, %dma_wait3A_867] : memref<5x128x128xf32, #tpu.memory_space<vmem>> -> memref<1x128x128xf32, #tpu.memory_space<vmem>>
        %dma_wait3A_869 = tpu.memref_squeeze %dma_wait3A_868 : memref<1x128x128xf32, #tpu.memory_space<vmem>> -> memref<128x128xf32, #tpu.memory_space<vmem>>
        %dma_wait3A_870 = arith.constant 0 : i32
        %dma_wait3A_871 = tpu.memref_slice %arg4[%select_n3A_844, %add3A_863, %dma_wait3A_870] : memref<20x16384x128xf32, #tpu.memory_space<hbm>> -> memref<1x128x128xf32, #tpu.memory_space<hbm>>
        %dma_wait3A_872 = tpu.memref_squeeze %dma_wait3A_871 : memref<1x128x128xf32, #tpu.memory_space<hbm>> -> memref<128x128xf32, #tpu.memory_space<hbm>>
        %dma_wait3A_873 = tpu.memref_slice %arg9[%dma_wait3A_865] : memref<5x!tpu.dma_semaphore, #tpu.memory_space<semaphore_mem>> -> memref<1x!tpu.dma_semaphore, #tpu.memory_space<semaphore_mem>>
        %dma_wait3A_874 = tpu.memref_squeeze %dma_wait3A_873 : memref<1x!tpu.dma_semaphore, #tpu.memory_space<semaphore_mem>> -> memref<!tpu.dma_semaphore, #tpu.memory_space<semaphore_mem>>
        %dma_wait3A_875 = arith.constant 0 : i32
        %dma_wait3A_876 = tpu.memref_slice %arg4[%select_n3A_844, %add3A_863, %dma_wait3A_875] : memref<20x16384x128xf32, #tpu.memory_space<hbm>> -> memref<1x128x128xf32, #tpu.memory_space<hbm>>
        %dma_wait3A_877 = tpu.memref_squeeze %dma_wait3A_876 : memref<1x128x128xf32, #tpu.memory_space<hbm>> -> memref<128x128xf32, #tpu.memory_space<hbm>>
        %dma_wait3A_878 = arith.constant 0 : i32
        %dma_wait3A_879 = arith.constant 0 : i32
        %dma_wait3A_880 = tpu.memref_slice %arg6[%dma_wait3A_864, %dma_wait3A_878, %dma_wait3A_879] : memref<5x128x128xf32, #tpu.memory_space<vmem>> -> memref<1x128x128xf32, #tpu.memory_space<vmem>>
        %dma_wait3A_881 = tpu.memref_squeeze %dma_wait3A_880 : memref<1x128x128xf32, #tpu.memory_space<vmem>> -> memref<128x128xf32, #tpu.memory_space<vmem>>
        tpu.wait_dma2 semaphore(%dma_wait3A_874 : memref<!tpu.dma_semaphore, #tpu.memory_space<semaphore_mem>>) src(%dma_wait3A_881 : memref<128x128xf32, #tpu.memory_space<vmem>>) dst(%dma_wait3A_877 : memref<128x128xf32, #tpu.memory_space<hbm>>)
      } else {
      }
      %jit3A_374 = arith.constant 4 : i32
      %div3A_375 = arith.divsi %add3A_368, %jit3A_374 : i32
      %sign3A_376 = arith.constant 0 : i32
      %sign3A_377 = arith.cmpi sgt, %add3A_368, %sign3A_376 : i32
      %sign3A_378 = arith.extui %sign3A_377 : i1 to i32
      %sign3A_379 = arith.constant 0 : i32
      %sign3A_380 = arith.cmpi slt, %add3A_368, %sign3A_379 : i32
      %sign3A_381 = arith.extui %sign3A_380 : i1 to i32
      %sign3A_382 = arith.subi %sign3A_378, %sign3A_381 : i32
      %sign3A_383 = arith.constant 0 : i32
      %sign3A_384 = arith.cmpi sgt, %jit3A_374, %sign3A_383 : i32
      %sign3A_385 = arith.extui %sign3A_384 : i1 to i32
      %sign3A_386 = arith.constant 0 : i32
      %sign3A_387 = arith.cmpi slt, %jit3A_374, %sign3A_386 : i32
      %sign3A_388 = arith.extui %sign3A_387 : i1 to i32
      %sign3A_389 = arith.subi %sign3A_385, %sign3A_388 : i32
      %ne3A_390 = arith.cmpi ne, %sign3A_382, %sign3A_389 : i32
      %rem3A_391 = arith.remsi %add3A_368, %jit3A_374 : i32
      %ne3A_392 = arith.constant 0 : i32
      %ne3A_393 = arith.cmpi ne, %rem3A_391, %ne3A_392 : i32
      %and3A_394 = arith.andi %ne3A_390, %ne3A_393 : i1
      %sub3A_395 = arith.constant 1 : i32
      %sub3A_396 = arith.subi %div3A_375, %sub3A_395 : i32
      %select_n3A_397 = arith.select %and3A_394, %sub3A_396, %div3A_375 : i32
      %jit3A_398 = arith.constant 4 : i32
      %eq3A_399 = arith.constant 0 : i32
      %eq3A_400 = arith.cmpi eq, %jit3A_398, %eq3A_399 : i32
      %jit3A_401 = arith.constant 1 : i32
      %select_n3A_402 = arith.select %eq3A_400, %jit3A_401, %jit3A_398 : i32
      %rem3A_403 = arith.remsi %add3A_368, %select_n3A_402 : i32
      %ne3A_404 = arith.constant 0 : i32
      %ne3A_405 = arith.cmpi ne, %rem3A_403, %ne3A_404 : i32
      %lt3A_406 = arith.constant 0 : i32
      %lt3A_407 = arith.cmpi slt, %rem3A_403, %lt3A_406 : i32
      %lt3A_408 = arith.constant 0 : i32
      %lt3A_409 = arith.cmpi slt, %select_n3A_402, %lt3A_408 : i32
      %ne3A_410 = arith.xori %lt3A_407, %lt3A_409 : i1
      %and3A_411 = arith.andi %ne3A_410, %ne3A_405 : i1
      %add3A_412 = arith.addi %rem3A_403, %select_n3A_402 : i32
      %select_n3A_413 = arith.select %and3A_411, %add3A_412, %rem3A_403 : i32
      %mul3A_414 = arith.constant 128 : i32
      %mul3A_415 = arith.muli %select_n3A_413, %mul3A_414 : i32
      %dma_start3A_416 = arith.constant 4 : i32
      %dma_start3A_417 = arith.constant 4 : i32
      %dma_start3A_418 = arith.constant 0 : i32
      %dma_start3A_419 = arith.constant 0 : i32
      %dma_start3A_420 = tpu.memref_slice %arg6[%dma_start3A_416, %dma_start3A_418, %dma_start3A_419] : memref<5x128x128xf32, #tpu.memory_space<vmem>> -> memref<1x128x128xf32, #tpu.memory_space<vmem>>
      %dma_start3A_421 = tpu.memref_squeeze %dma_start3A_420 : memref<1x128x128xf32, #tpu.memory_space<vmem>> -> memref<128x128xf32, #tpu.memory_space<vmem>>
      %dma_start3A_422 = tpu.memref_slice %arg5[%select_n3A_397, %mul3A_415] : memref<20x512xi32, #tpu.memory_space<vmem>> -> memref<1x128xi32, #tpu.memory_space<vmem>>
      %dma_start3A_423 = tpu.memref_squeeze %dma_start3A_422 : memref<1x128xi32, #tpu.memory_space<vmem>> -> memref<128xi32, #tpu.memory_space<vmem>>
      %dma_start3A_424 = arith.constant 0 : i32
      %dma_start3A_425 = arith.constant 0 : i32
      %dma_start3A_426 = tpu.memref_slice %arg7[%dma_start3A_424, %dma_start3A_425] : memref<1001x128xf32, #tpu.memory_space<vmem_shared>> -> memref<1001x128xf32, #tpu.memory_space<vmem_shared>>
      %dma_start3A_427 = tpu.memref_slice %arg8[%dma_start3A_417] : memref<5x!tpu.dma_semaphore, #tpu.memory_space<semaphore_mem>> -> memref<1x!tpu.dma_semaphore, #tpu.memory_space<semaphore_mem>>
      %dma_start3A_428 = tpu.memref_squeeze %dma_start3A_427 : memref<1x!tpu.dma_semaphore, #tpu.memory_space<semaphore_mem>> -> memref<!tpu.dma_semaphore, #tpu.memory_space<semaphore_mem>>
      tpu.enqueue_indirect_dma source(%dma_start3A_426 : memref<1001x128xf32, #tpu.memory_space<vmem_shared>>) target(%dma_start3A_421 : memref<128x128xf32, #tpu.memory_space<vmem>>) offsets(%dma_start3A_423 : memref<128xi32, #tpu.memory_space<vmem>>) semaphore(%dma_start3A_428 : memref<!tpu.dma_semaphore, #tpu.memory_space<semaphore_mem>>)
      %mul3A_429 = arith.constant 5 : i32
      %mul3A_430 = arith.muli %scan3A_118, %mul3A_429 : i32
      %add3A_431 = arith.constant 0 : i32
      %add3A_432 = arith.addi %mul3A_430, %add3A_431 : i32
      %dma_wait3A_433 = arith.constant 0 : i32
      %dma_wait3A_434 = arith.constant 0 : i32
      %dma_wait3A_435 = arith.constant 0 : i32
      %dma_wait3A_436 = arith.constant 0 : i32
      %dma_wait3A_437 = tpu.memref_slice %arg6[%dma_wait3A_433, %dma_wait3A_435, %dma_wait3A_436] : memref<5x128x128xf32, #tpu.memory_space<vmem>> -> memref<1x128x128xf32, #tpu.memory_space<vmem>>
      %dma_wait3A_438 = tpu.memref_squeeze %dma_wait3A_437 : memref<1x128x128xf32, #tpu.memory_space<vmem>> -> memref<128x128xf32, #tpu.memory_space<vmem>>
      %dma_wait3A_439 = tpu.memref_slice %arg5[%select_n3A, %mul3A_160] : memref<20x512xi32, #tpu.memory_space<vmem>> -> memref<1x128xi32, #tpu.memory_space<vmem>>
      %dma_wait3A_440 = tpu.memref_squeeze %dma_wait3A_439 : memref<1x128xi32, #tpu.memory_space<vmem>> -> memref<128xi32, #tpu.memory_space<vmem>>
      %dma_wait3A_441 = arith.constant 0 : i32
      %dma_wait3A_442 = arith.constant 0 : i32
      %dma_wait3A_443 = tpu.memref_slice %arg7[%dma_wait3A_441, %dma_wait3A_442] : memref<1001x128xf32, #tpu.memory_space<vmem_shared>> -> memref<1001x128xf32, #tpu.memory_space<vmem_shared>>
      %dma_wait3A_444 = tpu.memref_slice %arg8[%dma_wait3A_434] : memref<5x!tpu.dma_semaphore, #tpu.memory_space<semaphore_mem>> -> memref<1x!tpu.dma_semaphore, #tpu.memory_space<semaphore_mem>>
      %dma_wait3A_445 = tpu.memref_squeeze %dma_wait3A_444 : memref<1x!tpu.dma_semaphore, #tpu.memory_space<semaphore_mem>> -> memref<!tpu.dma_semaphore, #tpu.memory_space<semaphore_mem>>
      tpu.wait_indirect_dma semaphore(%dma_wait3A_445 : memref<!tpu.dma_semaphore, #tpu.memory_space<semaphore_mem>>) src(%dma_wait3A_443 : memref<1001x128xf32, #tpu.memory_space<vmem_shared>>) dst(%dma_wait3A_438 : memref<128x128xf32, #tpu.memory_space<vmem>>)
      %jit3A_446 = arith.constant 4 : i32
      %div3A_447 = arith.divsi %add3A_432, %jit3A_446 : i32
      %sign3A_448 = arith.constant 0 : i32
      %sign3A_449 = arith.cmpi sgt, %add3A_432, %sign3A_448 : i32
      %sign3A_450 = arith.extui %sign3A_449 : i1 to i32
      %sign3A_451 = arith.constant 0 : i32
      %sign3A_452 = arith.cmpi slt, %add3A_432, %sign3A_451 : i32
      %sign3A_453 = arith.extui %sign3A_452 : i1 to i32
      %sign3A_454 = arith.subi %sign3A_450, %sign3A_453 : i32
      %sign3A_455 = arith.constant 0 : i32
      %sign3A_456 = arith.cmpi sgt, %jit3A_446, %sign3A_455 : i32
      %sign3A_457 = arith.extui %sign3A_456 : i1 to i32
      %sign3A_458 = arith.constant 0 : i32
      %sign3A_459 = arith.cmpi slt, %jit3A_446, %sign3A_458 : i32
      %sign3A_460 = arith.extui %sign3A_459 : i1 to i32
      %sign3A_461 = arith.subi %sign3A_457, %sign3A_460 : i32
      %ne3A_462 = arith.cmpi ne, %sign3A_454, %sign3A_461 : i32
      %rem3A_463 = arith.remsi %add3A_432, %jit3A_446 : i32
      %ne3A_464 = arith.constant 0 : i32
      %ne3A_465 = arith.cmpi ne, %rem3A_463, %ne3A_464 : i32
      %and3A_466 = arith.andi %ne3A_462, %ne3A_465 : i1
      %sub3A_467 = arith.constant 1 : i32
      %sub3A_468 = arith.subi %div3A_447, %sub3A_467 : i32
      %select_n3A_469 = arith.select %and3A_466, %sub3A_468, %div3A_447 : i32
      %jit3A_470 = arith.constant 4 : i32
      %eq3A_471 = arith.constant 0 : i32
      %eq3A_472 = arith.cmpi eq, %jit3A_470, %eq3A_471 : i32
      %jit3A_473 = arith.constant 1 : i32
      %select_n3A_474 = arith.select %eq3A_472, %jit3A_473, %jit3A_470 : i32
      %rem3A_475 = arith.remsi %add3A_432, %select_n3A_474 : i32
      %ne3A_476 = arith.constant 0 : i32
      %ne3A_477 = arith.cmpi ne, %rem3A_475, %ne3A_476 : i32
      %lt3A_478 = arith.constant 0 : i32
      %lt3A_479 = arith.cmpi slt, %rem3A_475, %lt3A_478 : i32
      %lt3A_480 = arith.constant 0 : i32
      %lt3A_481 = arith.cmpi slt, %select_n3A_474, %lt3A_480 : i32
      %ne3A_482 = arith.xori %lt3A_479, %lt3A_481 : i1
      %and3A_483 = arith.andi %ne3A_482, %ne3A_477 : i1
      %add3A_484 = arith.addi %rem3A_475, %select_n3A_474 : i32
      %select_n3A_485 = arith.select %and3A_483, %add3A_484, %rem3A_475 : i32
      %mul3A_486 = arith.constant 128 : i32
      %mul3A_487 = arith.muli %select_n3A_485, %mul3A_486 : i32
      %add3A_488 = arith.addi %mul3A_2, %mul3A_487 : i32
      %dma_start3A_489 = arith.constant 0 : i32
      %dma_start3A_490 = arith.constant 0 : i32
      %dma_start3A_491 = arith.constant 0 : i32
      %dma_start3A_492 = arith.constant 0 : i32
      %dma_start3A_493 = tpu.memref_slice %arg6[%dma_start3A_489, %dma_start3A_491, %dma_start3A_492] : memref<5x128x128xf32, #tpu.memory_space<vmem>> -> memref<1x128x128xf32, #tpu.memory_space<vmem>>
      %dma_start3A_494 = tpu.memref_squeeze %dma_start3A_493 : memref<1x128x128xf32, #tpu.memory_space<vmem>> -> memref<128x128xf32, #tpu.memory_space<vmem>>
      %dma_start3A_495 = arith.constant 0 : i32
      %dma_start3A_496 = tpu.memref_slice %arg4[%select_n3A_469, %add3A_488, %dma_start3A_495] : memref<20x16384x128xf32, #tpu.memory_space<hbm>> -> memref<1x128x128xf32, #tpu.memory_space<hbm>>
      %dma_start3A_497 = tpu.memref_squeeze %dma_start3A_496 : memref<1x128x128xf32, #tpu.memory_space<hbm>> -> memref<128x128xf32, #tpu.memory_space<hbm>>
      %dma_start3A_498 = tpu.memref_slice %arg9[%dma_start3A_490] : memref<5x!tpu.dma_semaphore, #tpu.memory_space<semaphore_mem>> -> memref<1x!tpu.dma_semaphore, #tpu.memory_space<semaphore_mem>>
      %dma_start3A_499 = tpu.memref_squeeze %dma_start3A_498 : memref<1x!tpu.dma_semaphore, #tpu.memory_space<semaphore_mem>> -> memref<!tpu.dma_semaphore, #tpu.memory_space<semaphore_mem>>
      %dma_start3A_500 = arith.constant 0 : i32
      %dma_start3A_501 = tpu.memref_slice %arg4[%select_n3A_469, %add3A_488, %dma_start3A_500] : memref<20x16384x128xf32, #tpu.memory_space<hbm>> -> memref<1x128x128xf32, #tpu.memory_space<hbm>>
      %dma_start3A_502 = tpu.memref_squeeze %dma_start3A_501 : memref<1x128x128xf32, #tpu.memory_space<hbm>> -> memref<128x128xf32, #tpu.memory_space<hbm>>
      %dma_start3A_503 = arith.constant 0 : i32
      %dma_start3A_504 = arith.constant 0 : i32
      %dma_start3A_505 = tpu.memref_slice %arg6[%dma_start3A_489, %dma_start3A_503, %dma_start3A_504] : memref<5x128x128xf32, #tpu.memory_space<vmem>> -> memref<1x128x128xf32, #tpu.memory_space<vmem>>
      %dma_start3A_506 = tpu.memref_squeeze %dma_start3A_505 : memref<1x128x128xf32, #tpu.memory_space<vmem>> -> memref<128x128xf32, #tpu.memory_space<vmem>>
      tpu.enqueue_dma source(%dma_start3A_506 : memref<128x128xf32, #tpu.memory_space<vmem>>) target(%dma_start3A_502 : memref<128x128xf32, #tpu.memory_space<hbm>>) target_semaphore(%dma_start3A_499 : memref<!tpu.dma_semaphore, #tpu.memory_space<semaphore_mem>>)
      %mul3A_507 = arith.constant 5 : i32
      %mul3A_508 = arith.muli %scan3A_118, %mul3A_507 : i32
      %add3A_509 = arith.constant 1 : i32
      %add3A_510 = arith.addi %mul3A_508, %add3A_509 : i32
      %dma_wait3A_511 = arith.constant 1 : i32
      %dma_wait3A_512 = arith.constant 1 : i32
      %dma_wait3A_513 = arith.constant 0 : i32
      %dma_wait3A_514 = arith.constant 0 : i32
      %dma_wait3A_515 = tpu.memref_slice %arg6[%dma_wait3A_511, %dma_wait3A_513, %dma_wait3A_514] : memref<5x128x128xf32, #tpu.memory_space<vmem>> -> memref<1x128x128xf32, #tpu.memory_space<vmem>>
      %dma_wait3A_516 = tpu.memref_squeeze %dma_wait3A_515 : memref<1x128x128xf32, #tpu.memory_space<vmem>> -> memref<128x128xf32, #tpu.memory_space<vmem>>
      %dma_wait3A_517 = tpu.memref_slice %arg5[%select_n3A_205, %mul3A_223] : memref<20x512xi32, #tpu.memory_space<vmem>> -> memref<1x128xi32, #tpu.memory_space<vmem>>
      %dma_wait3A_518 = tpu.memref_squeeze %dma_wait3A_517 : memref<1x128xi32, #tpu.memory_space<vmem>> -> memref<128xi32, #tpu.memory_space<vmem>>
      %dma_wait3A_519 = arith.constant 0 : i32
      %dma_wait3A_520 = arith.constant 0 : i32
      %dma_wait3A_521 = tpu.memref_slice %arg7[%dma_wait3A_519, %dma_wait3A_520] : memref<1001x128xf32, #tpu.memory_space<vmem_shared>> -> memref<1001x128xf32, #tpu.memory_space<vmem_shared>>
      %dma_wait3A_522 = tpu.memref_slice %arg8[%dma_wait3A_512] : memref<5x!tpu.dma_semaphore, #tpu.memory_space<semaphore_mem>> -> memref<1x!tpu.dma_semaphore, #tpu.memory_space<semaphore_mem>>
      %dma_wait3A_523 = tpu.memref_squeeze %dma_wait3A_522 : memref<1x!tpu.dma_semaphore, #tpu.memory_space<semaphore_mem>> -> memref<!tpu.dma_semaphore, #tpu.memory_space<semaphore_mem>>
      tpu.wait_indirect_dma semaphore(%dma_wait3A_523 : memref<!tpu.dma_semaphore, #tpu.memory_space<semaphore_mem>>) src(%dma_wait3A_521 : memref<1001x128xf32, #tpu.memory_space<vmem_shared>>) dst(%dma_wait3A_516 : memref<128x128xf32, #tpu.memory_space<vmem>>)
      %jit3A_524 = arith.constant 4 : i32
      %div3A_525 = arith.divsi %add3A_510, %jit3A_524 : i32
      %sign3A_526 = arith.constant 0 : i32
      %sign3A_527 = arith.cmpi sgt, %add3A_510, %sign3A_526 : i32
      %sign3A_528 = arith.extui %sign3A_527 : i1 to i32
      %sign3A_529 = arith.constant 0 : i32
      %sign3A_530 = arith.cmpi slt, %add3A_510, %sign3A_529 : i32
      %sign3A_531 = arith.extui %sign3A_530 : i1 to i32
      %sign3A_532 = arith.subi %sign3A_528, %sign3A_531 : i32
      %sign3A_533 = arith.constant 0 : i32
      %sign3A_534 = arith.cmpi sgt, %jit3A_524, %sign3A_533 : i32
      %sign3A_535 = arith.extui %sign3A_534 : i1 to i32
      %sign3A_536 = arith.constant 0 : i32
      %sign3A_537 = arith.cmpi slt, %jit3A_524, %sign3A_536 : i32
      %sign3A_538 = arith.extui %sign3A_537 : i1 to i32
      %sign3A_539 = arith.subi %sign3A_535, %sign3A_538 : i32
      %ne3A_540 = arith.cmpi ne, %sign3A_532, %sign3A_539 : i32
      %rem3A_541 = arith.remsi %add3A_510, %jit3A_524 : i32
      %ne3A_542 = arith.constant 0 : i32
      %ne3A_543 = arith.cmpi ne, %rem3A_541, %ne3A_542 : i32
      %and3A_544 = arith.andi %ne3A_540, %ne3A_543 : i1
      %sub3A_545 = arith.constant 1 : i32
      %sub3A_546 = arith.subi %div3A_525, %sub3A_545 : i32
      %select_n3A_547 = arith.select %and3A_544, %sub3A_546, %div3A_525 : i32
      %jit3A_548 = arith.constant 4 : i32
      %eq3A_549 = arith.constant 0 : i32
      %eq3A_550 = arith.cmpi eq, %jit3A_548, %eq3A_549 : i32
      %jit3A_551 = arith.constant 1 : i32
      %select_n3A_552 = arith.select %eq3A_550, %jit3A_551, %jit3A_548 : i32
      %rem3A_553 = arith.remsi %add3A_510, %select_n3A_552 : i32
      %ne3A_554 = arith.constant 0 : i32
      %ne3A_555 = arith.cmpi ne, %rem3A_553, %ne3A_554 : i32
      %lt3A_556 = arith.constant 0 : i32
      %lt3A_557 = arith.cmpi slt, %rem3A_553, %lt3A_556 : i32
      %lt3A_558 = arith.constant 0 : i32
      %lt3A_559 = arith.cmpi slt, %select_n3A_552, %lt3A_558 : i32
      %ne3A_560 = arith.xori %lt3A_557, %lt3A_559 : i1
      %and3A_561 = arith.andi %ne3A_560, %ne3A_555 : i1
      %add3A_562 = arith.addi %rem3A_553, %select_n3A_552 : i32
      %select_n3A_563 = arith.select %and3A_561, %add3A_562, %rem3A_553 : i32
      %mul3A_564 = arith.constant 128 : i32
      %mul3A_565 = arith.muli %select_n3A_563, %mul3A_564 : i32
      %add3A_566 = arith.addi %mul3A_2, %mul3A_565 : i32
      %dma_start3A_567 = arith.constant 1 : i32
      %dma_start3A_568 = arith.constant 1 : i32
      %dma_start3A_569 = arith.constant 0 : i32
      %dma_start3A_570 = arith.constant 0 : i32
      %dma_start3A_571 = tpu.memref_slice %arg6[%dma_start3A_567, %dma_start3A_569, %dma_start3A_570] : memref<5x128x128xf32, #tpu.memory_space<vmem>> -> memref<1x128x128xf32, #tpu.memory_space<vmem>>
      %dma_start3A_572 = tpu.memref_squeeze %dma_start3A_571 : memref<1x128x128xf32, #tpu.memory_space<vmem>> -> memref<128x128xf32, #tpu.memory_space<vmem>>
      %dma_start3A_573 = arith.constant 0 : i32
      %dma_start3A_574 = tpu.memref_slice %arg4[%select_n3A_547, %add3A_566, %dma_start3A_573] : memref<20x16384x128xf32, #tpu.memory_space<hbm>> -> memref<1x128x128xf32, #tpu.memory_space<hbm>>
      %dma_start3A_575 = tpu.memref_squeeze %dma_start3A_574 : memref<1x128x128xf32, #tpu.memory_space<hbm>> -> memref<128x128xf32, #tpu.memory_space<hbm>>
      %dma_start3A_576 = tpu.memref_slice %arg9[%dma_start3A_568] : memref<5x!tpu.dma_semaphore, #tpu.memory_space<semaphore_mem>> -> memref<1x!tpu.dma_semaphore, #tpu.memory_space<semaphore_mem>>
      %dma_start3A_577 = tpu.memref_squeeze %dma_start3A_576 : memref<1x!tpu.dma_semaphore, #tpu.memory_space<semaphore_mem>> -> memref<!tpu.dma_semaphore, #tpu.memory_space<semaphore_mem>>
      %dma_start3A_578 = arith.constant 0 : i32
      %dma_start3A_579 = tpu.memref_slice %arg4[%select_n3A_547, %add3A_566, %dma_start3A_578] : memref<20x16384x128xf32, #tpu.memory_space<hbm>> -> memref<1x128x128xf32, #tpu.memory_space<hbm>>
      %dma_start3A_580 = tpu.memref_squeeze %dma_start3A_579 : memref<1x128x128xf32, #tpu.memory_space<hbm>> -> memref<128x128xf32, #tpu.memory_space<hbm>>
      %dma_start3A_581 = arith.constant 0 : i32
      %dma_start3A_582 = arith.constant 0 : i32
      %dma_start3A_583 = tpu.memref_slice %arg6[%dma_start3A_567, %dma_start3A_581, %dma_start3A_582] : memref<5x128x128xf32, #tpu.memory_space<vmem>> -> memref<1x128x128xf32, #tpu.memory_space<vmem>>
      %dma_start3A_584 = tpu.memref_squeeze %dma_start3A_583 : memref<1x128x128xf32, #tpu.memory_space<vmem>> -> memref<128x128xf32, #tpu.memory_space<vmem>>
      tpu.enqueue_dma source(%dma_start3A_584 : memref<128x128xf32, #tpu.memory_space<vmem>>) target(%dma_start3A_580 : memref<128x128xf32, #tpu.memory_space<hbm>>) target_semaphore(%dma_start3A_577 : memref<!tpu.dma_semaphore, #tpu.memory_space<semaphore_mem>>)
      %mul3A_585 = arith.constant 5 : i32
      %mul3A_586 = arith.muli %scan3A_118, %mul3A_585 : i32
      %add3A_587 = arith.constant 2 : i32
      %add3A_588 = arith.addi %mul3A_586, %add3A_587 : i32
      %dma_wait3A_589 = arith.constant 2 : i32
      %dma_wait3A_590 = arith.constant 2 : i32
      %dma_wait3A_591 = arith.constant 0 : i32
      %dma_wait3A_592 = arith.constant 0 : i32
      %dma_wait3A_593 = tpu.memref_slice %arg6[%dma_wait3A_589, %dma_wait3A_591, %dma_wait3A_592] : memref<5x128x128xf32, #tpu.memory_space<vmem>> -> memref<1x128x128xf32, #tpu.memory_space<vmem>>
      %dma_wait3A_594 = tpu.memref_squeeze %dma_wait3A_593 : memref<1x128x128xf32, #tpu.memory_space<vmem>> -> memref<128x128xf32, #tpu.memory_space<vmem>>
      %dma_wait3A_595 = tpu.memref_slice %arg5[%select_n3A_269, %mul3A_287] : memref<20x512xi32, #tpu.memory_space<vmem>> -> memref<1x128xi32, #tpu.memory_space<vmem>>
      %dma_wait3A_596 = tpu.memref_squeeze %dma_wait3A_595 : memref<1x128xi32, #tpu.memory_space<vmem>> -> memref<128xi32, #tpu.memory_space<vmem>>
      %dma_wait3A_597 = arith.constant 0 : i32
      %dma_wait3A_598 = arith.constant 0 : i32
      %dma_wait3A_599 = tpu.memref_slice %arg7[%dma_wait3A_597, %dma_wait3A_598] : memref<1001x128xf32, #tpu.memory_space<vmem_shared>> -> memref<1001x128xf32, #tpu.memory_space<vmem_shared>>
      %dma_wait3A_600 = tpu.memref_slice %arg8[%dma_wait3A_590] : memref<5x!tpu.dma_semaphore, #tpu.memory_space<semaphore_mem>> -> memref<1x!tpu.dma_semaphore, #tpu.memory_space<semaphore_mem>>
      %dma_wait3A_601 = tpu.memref_squeeze %dma_wait3A_600 : memref<1x!tpu.dma_semaphore, #tpu.memory_space<semaphore_mem>> -> memref<!tpu.dma_semaphore, #tpu.memory_space<semaphore_mem>>
      tpu.wait_indirect_dma semaphore(%dma_wait3A_601 : memref<!tpu.dma_semaphore, #tpu.memory_space<semaphore_mem>>) src(%dma_wait3A_599 : memref<1001x128xf32, #tpu.memory_space<vmem_shared>>) dst(%dma_wait3A_594 : memref<128x128xf32, #tpu.memory_space<vmem>>)
      %jit3A_602 = arith.constant 4 : i32
      %div3A_603 = arith.divsi %add3A_588, %jit3A_602 : i32
      %sign3A_604 = arith.constant 0 : i32
      %sign3A_605 = arith.cmpi sgt, %add3A_588, %sign3A_604 : i32
      %sign3A_606 = arith.extui %sign3A_605 : i1 to i32
      %sign3A_607 = arith.constant 0 : i32
      %sign3A_608 = arith.cmpi slt, %add3A_588, %sign3A_607 : i32
      %sign3A_609 = arith.extui %sign3A_608 : i1 to i32
      %sign3A_610 = arith.subi %sign3A_606, %sign3A_609 : i32
      %sign3A_611 = arith.constant 0 : i32
      %sign3A_612 = arith.cmpi sgt, %jit3A_602, %sign3A_611 : i32
      %sign3A_613 = arith.extui %sign3A_612 : i1 to i32
      %sign3A_614 = arith.constant 0 : i32
      %sign3A_615 = arith.cmpi slt, %jit3A_602, %sign3A_614 : i32
      %sign3A_616 = arith.extui %sign3A_615 : i1 to i32
      %sign3A_617 = arith.subi %sign3A_613, %sign3A_616 : i32
      %ne3A_618 = arith.cmpi ne, %sign3A_610, %sign3A_617 : i32
      %rem3A_619 = arith.remsi %add3A_588, %jit3A_602 : i32
      %ne3A_620 = arith.constant 0 : i32
      %ne3A_621 = arith.cmpi ne, %rem3A_619, %ne3A_620 : i32
      %and3A_622 = arith.andi %ne3A_618, %ne3A_621 : i1
      %sub3A_623 = arith.constant 1 : i32
      %sub3A_624 = arith.subi %div3A_603, %sub3A_623 : i32
      %select_n3A_625 = arith.select %and3A_622, %sub3A_624, %div3A_603 : i32
      %jit3A_626 = arith.constant 4 : i32
      %eq3A_627 = arith.constant 0 : i32
      %eq3A_628 = arith.cmpi eq, %jit3A_626, %eq3A_627 : i32
      %jit3A_629 = arith.constant 1 : i32
      %select_n3A_630 = arith.select %eq3A_628, %jit3A_629, %jit3A_626 : i32
      %rem3A_631 = arith.remsi %add3A_588, %select_n3A_630 : i32
      %ne3A_632 = arith.constant 0 : i32
      %ne3A_633 = arith.cmpi ne, %rem3A_631, %ne3A_632 : i32
      %lt3A_634 = arith.constant 0 : i32
      %lt3A_635 = arith.cmpi slt, %rem3A_631, %lt3A_634 : i32
      %lt3A_636 = arith.constant 0 : i32
      %lt3A_637 = arith.cmpi slt, %select_n3A_630, %lt3A_636 : i32
      %ne3A_638 = arith.xori %lt3A_635, %lt3A_637 : i1
      %and3A_639 = arith.andi %ne3A_638, %ne3A_633 : i1
      %add3A_640 = arith.addi %rem3A_631, %select_n3A_630 : i32
      %select_n3A_641 = arith.select %and3A_639, %add3A_640, %rem3A_631 : i32
      %mul3A_642 = arith.constant 128 : i32
      %mul3A_643 = arith.muli %select_n3A_641, %mul3A_642 : i32
      %add3A_644 = arith.addi %mul3A_2, %mul3A_643 : i32
      %dma_start3A_645 = arith.constant 2 : i32
      %dma_start3A_646 = arith.constant 2 : i32
      %dma_start3A_647 = arith.constant 0 : i32
      %dma_start3A_648 = arith.constant 0 : i32
      %dma_start3A_649 = tpu.memref_slice %arg6[%dma_start3A_645, %dma_start3A_647, %dma_start3A_648] : memref<5x128x128xf32, #tpu.memory_space<vmem>> -> memref<1x128x128xf32, #tpu.memory_space<vmem>>
      %dma_start3A_650 = tpu.memref_squeeze %dma_start3A_649 : memref<1x128x128xf32, #tpu.memory_space<vmem>> -> memref<128x128xf32, #tpu.memory_space<vmem>>
      %dma_start3A_651 = arith.constant 0 : i32
      %dma_start3A_652 = tpu.memref_slice %arg4[%select_n3A_625, %add3A_644, %dma_start3A_651] : memref<20x16384x128xf32, #tpu.memory_space<hbm>> -> memref<1x128x128xf32, #tpu.memory_space<hbm>>
      %dma_start3A_653 = tpu.memref_squeeze %dma_start3A_652 : memref<1x128x128xf32, #tpu.memory_space<hbm>> -> memref<128x128xf32, #tpu.memory_space<hbm>>
      %dma_start3A_654 = tpu.memref_slice %arg9[%dma_start3A_646] : memref<5x!tpu.dma_semaphore, #tpu.memory_space<semaphore_mem>> -> memref<1x!tpu.dma_semaphore, #tpu.memory_space<semaphore_mem>>
      %dma_start3A_655 = tpu.memref_squeeze %dma_start3A_654 : memref<1x!tpu.dma_semaphore, #tpu.memory_space<semaphore_mem>> -> memref<!tpu.dma_semaphore, #tpu.memory_space<semaphore_mem>>
      %dma_start3A_656 = arith.constant 0 : i32
      %dma_start3A_657 = tpu.memref_slice %arg4[%select_n3A_625, %add3A_644, %dma_start3A_656] : memref<20x16384x128xf32, #tpu.memory_space<hbm>> -> memref<1x128x128xf32, #tpu.memory_space<hbm>>
      %dma_start3A_658 = tpu.memref_squeeze %dma_start3A_657 : memref<1x128x128xf32, #tpu.memory_space<hbm>> -> memref<128x128xf32, #tpu.memory_space<hbm>>
      %dma_start3A_659 = arith.constant 0 : i32
      %dma_start3A_660 = arith.constant 0 : i32
      %dma_start3A_661 = tpu.memref_slice %arg6[%dma_start3A_645, %dma_start3A_659, %dma_start3A_660] : memref<5x128x128xf32, #tpu.memory_space<vmem>> -> memref<1x128x128xf32, #tpu.memory_space<vmem>>
      %dma_start3A_662 = tpu.memref_squeeze %dma_start3A_661 : memref<1x128x128xf32, #tpu.memory_space<vmem>> -> memref<128x128xf32, #tpu.memory_space<vmem>>
      tpu.enqueue_dma source(%dma_start3A_662 : memref<128x128xf32, #tpu.memory_space<vmem>>) target(%dma_start3A_658 : memref<128x128xf32, #tpu.memory_space<hbm>>) target_semaphore(%dma_start3A_655 : memref<!tpu.dma_semaphore, #tpu.memory_space<semaphore_mem>>)
      %mul3A_663 = arith.constant 5 : i32
      %mul3A_664 = arith.muli %scan3A_118, %mul3A_663 : i32
      %add3A_665 = arith.constant 3 : i32
      %add3A_666 = arith.addi %mul3A_664, %add3A_665 : i32
      %dma_wait3A_667 = arith.constant 3 : i32
      %dma_wait3A_668 = arith.constant 3 : i32
      %dma_wait3A_669 = arith.constant 0 : i32
      %dma_wait3A_670 = arith.constant 0 : i32
      %dma_wait3A_671 = tpu.memref_slice %arg6[%dma_wait3A_667, %dma_wait3A_669, %dma_wait3A_670] : memref<5x128x128xf32, #tpu.memory_space<vmem>> -> memref<1x128x128xf32, #tpu.memory_space<vmem>>
      %dma_wait3A_672 = tpu.memref_squeeze %dma_wait3A_671 : memref<1x128x128xf32, #tpu.memory_space<vmem>> -> memref<128x128xf32, #tpu.memory_space<vmem>>
      %dma_wait3A_673 = tpu.memref_slice %arg5[%select_n3A_333, %mul3A_351] : memref<20x512xi32, #tpu.memory_space<vmem>> -> memref<1x128xi32, #tpu.memory_space<vmem>>
      %dma_wait3A_674 = tpu.memref_squeeze %dma_wait3A_673 : memref<1x128xi32, #tpu.memory_space<vmem>> -> memref<128xi32, #tpu.memory_space<vmem>>
      %dma_wait3A_675 = arith.constant 0 : i32
      %dma_wait3A_676 = arith.constant 0 : i32
      %dma_wait3A_677 = tpu.memref_slice %arg7[%dma_wait3A_675, %dma_wait3A_676] : memref<1001x128xf32, #tpu.memory_space<vmem_shared>> -> memref<1001x128xf32, #tpu.memory_space<vmem_shared>>
      %dma_wait3A_678 = tpu.memref_slice %arg8[%dma_wait3A_668] : memref<5x!tpu.dma_semaphore, #tpu.memory_space<semaphore_mem>> -> memref<1x!tpu.dma_semaphore, #tpu.memory_space<semaphore_mem>>
      %dma_wait3A_679 = tpu.memref_squeeze %dma_wait3A_678 : memref<1x!tpu.dma_semaphore, #tpu.memory_space<semaphore_mem>> -> memref<!tpu.dma_semaphore, #tpu.memory_space<semaphore_mem>>
      tpu.wait_indirect_dma semaphore(%dma_wait3A_679 : memref<!tpu.dma_semaphore, #tpu.memory_space<semaphore_mem>>) src(%dma_wait3A_677 : memref<1001x128xf32, #tpu.memory_space<vmem_shared>>) dst(%dma_wait3A_672 : memref<128x128xf32, #tpu.memory_space<vmem>>)
      %jit3A_680 = arith.constant 4 : i32
      %div3A_681 = arith.divsi %add3A_666, %jit3A_680 : i32
      %sign3A_682 = arith.constant 0 : i32
      %sign3A_683 = arith.cmpi sgt, %add3A_666, %sign3A_682 : i32
      %sign3A_684 = arith.extui %sign3A_683 : i1 to i32
      %sign3A_685 = arith.constant 0 : i32
      %sign3A_686 = arith.cmpi slt, %add3A_666, %sign3A_685 : i32
      %sign3A_687 = arith.extui %sign3A_686 : i1 to i32
      %sign3A_688 = arith.subi %sign3A_684, %sign3A_687 : i32
      %sign3A_689 = arith.constant 0 : i32
      %sign3A_690 = arith.cmpi sgt, %jit3A_680, %sign3A_689 : i32
      %sign3A_691 = arith.extui %sign3A_690 : i1 to i32
      %sign3A_692 = arith.constant 0 : i32
      %sign3A_693 = arith.cmpi slt, %jit3A_680, %sign3A_692 : i32
      %sign3A_694 = arith.extui %sign3A_693 : i1 to i32
      %sign3A_695 = arith.subi %sign3A_691, %sign3A_694 : i32
      %ne3A_696 = arith.cmpi ne, %sign3A_688, %sign3A_695 : i32
      %rem3A_697 = arith.remsi %add3A_666, %jit3A_680 : i32
      %ne3A_698 = arith.constant 0 : i32
      %ne3A_699 = arith.cmpi ne, %rem3A_697, %ne3A_698 : i32
      %and3A_700 = arith.andi %ne3A_696, %ne3A_699 : i1
      %sub3A_701 = arith.constant 1 : i32
      %sub3A_702 = arith.subi %div3A_681, %sub3A_701 : i32
      %select_n3A_703 = arith.select %and3A_700, %sub3A_702, %div3A_681 : i32
      %jit3A_704 = arith.constant 4 : i32
      %eq3A_705 = arith.constant 0 : i32
      %eq3A_706 = arith.cmpi eq, %jit3A_704, %eq3A_705 : i32
      %jit3A_707 = arith.constant 1 : i32
      %select_n3A_708 = arith.select %eq3A_706, %jit3A_707, %jit3A_704 : i32
      %rem3A_709 = arith.remsi %add3A_666, %select_n3A_708 : i32
      %ne3A_710 = arith.constant 0 : i32
      %ne3A_711 = arith.cmpi ne, %rem3A_709, %ne3A_710 : i32
      %lt3A_712 = arith.constant 0 : i32
      %lt3A_713 = arith.cmpi slt, %rem3A_709, %lt3A_712 : i32
      %lt3A_714 = arith.constant 0 : i32
      %lt3A_715 = arith.cmpi slt, %select_n3A_708, %lt3A_714 : i32
      %ne3A_716 = arith.xori %lt3A_713, %lt3A_715 : i1
      %and3A_717 = arith.andi %ne3A_716, %ne3A_711 : i1
      %add3A_718 = arith.addi %rem3A_709, %select_n3A_708 : i32
      %select_n3A_719 = arith.select %and3A_717, %add3A_718, %rem3A_709 : i32
      %mul3A_720 = arith.constant 128 : i32
      %mul3A_721 = arith.muli %select_n3A_719, %mul3A_720 : i32
      %add3A_722 = arith.addi %mul3A_2, %mul3A_721 : i32
      %dma_start3A_723 = arith.constant 3 : i32
      %dma_start3A_724 = arith.constant 3 : i32
      %dma_start3A_725 = arith.constant 0 : i32
      %dma_start3A_726 = arith.constant 0 : i32
      %dma_start3A_727 = tpu.memref_slice %arg6[%dma_start3A_723, %dma_start3A_725, %dma_start3A_726] : memref<5x128x128xf32, #tpu.memory_space<vmem>> -> memref<1x128x128xf32, #tpu.memory_space<vmem>>
      %dma_start3A_728 = tpu.memref_squeeze %dma_start3A_727 : memref<1x128x128xf32, #tpu.memory_space<vmem>> -> memref<128x128xf32, #tpu.memory_space<vmem>>
      %dma_start3A_729 = arith.constant 0 : i32
      %dma_start3A_730 = tpu.memref_slice %arg4[%select_n3A_703, %add3A_722, %dma_start3A_729] : memref<20x16384x128xf32, #tpu.memory_space<hbm>> -> memref<1x128x128xf32, #tpu.memory_space<hbm>>
      %dma_start3A_731 = tpu.memref_squeeze %dma_start3A_730 : memref<1x128x128xf32, #tpu.memory_space<hbm>> -> memref<128x128xf32, #tpu.memory_space<hbm>>
      %dma_start3A_732 = tpu.memref_slice %arg9[%dma_start3A_724] : memref<5x!tpu.dma_semaphore, #tpu.memory_space<semaphore_mem>> -> memref<1x!tpu.dma_semaphore, #tpu.memory_space<semaphore_mem>>
      %dma_start3A_733 = tpu.memref_squeeze %dma_start3A_732 : memref<1x!tpu.dma_semaphore, #tpu.memory_space<semaphore_mem>> -> memref<!tpu.dma_semaphore, #tpu.memory_space<semaphore_mem>>
      %dma_start3A_734 = arith.constant 0 : i32
      %dma_start3A_735 = tpu.memref_slice %arg4[%select_n3A_703, %add3A_722, %dma_start3A_734] : memref<20x16384x128xf32, #tpu.memory_space<hbm>> -> memref<1x128x128xf32, #tpu.memory_space<hbm>>
      %dma_start3A_736 = tpu.memref_squeeze %dma_start3A_735 : memref<1x128x128xf32, #tpu.memory_space<hbm>> -> memref<128x128xf32, #tpu.memory_space<hbm>>
      %dma_start3A_737 = arith.constant 0 : i32
      %dma_start3A_738 = arith.constant 0 : i32
      %dma_start3A_739 = tpu.memref_slice %arg6[%dma_start3A_723, %dma_start3A_737, %dma_start3A_738] : memref<5x128x128xf32, #tpu.memory_space<vmem>> -> memref<1x128x128xf32, #tpu.memory_space<vmem>>
      %dma_start3A_740 = tpu.memref_squeeze %dma_start3A_739 : memref<1x128x128xf32, #tpu.memory_space<vmem>> -> memref<128x128xf32, #tpu.memory_space<vmem>>
      tpu.enqueue_dma source(%dma_start3A_740 : memref<128x128xf32, #tpu.memory_space<vmem>>) target(%dma_start3A_736 : memref<128x128xf32, #tpu.memory_space<hbm>>) target_semaphore(%dma_start3A_733 : memref<!tpu.dma_semaphore, #tpu.memory_space<semaphore_mem>>)
      %mul3A_741 = arith.constant 5 : i32
      %mul3A_742 = arith.muli %scan3A_118, %mul3A_741 : i32
      %add3A_743 = arith.constant 4 : i32
      %add3A_744 = arith.addi %mul3A_742, %add3A_743 : i32
      %dma_wait3A_745 = arith.constant 4 : i32
      %dma_wait3A_746 = arith.constant 4 : i32
      %dma_wait3A_747 = arith.constant 0 : i32
      %dma_wait3A_748 = arith.constant 0 : i32
      %dma_wait3A_749 = tpu.memref_slice %arg6[%dma_wait3A_745, %dma_wait3A_747, %dma_wait3A_748] : memref<5x128x128xf32, #tpu.memory_space<vmem>> -> memref<1x128x128xf32, #tpu.memory_space<vmem>>
      %dma_wait3A_750 = tpu.memref_squeeze %dma_wait3A_749 : memref<1x128x128xf32, #tpu.memory_space<vmem>> -> memref<128x128xf32, #tpu.memory_space<vmem>>
      %dma_wait3A_751 = tpu.memref_slice %arg5[%select_n3A_397, %mul3A_415] : memref<20x512xi32, #tpu.memory_space<vmem>> -> memref<1x128xi32, #tpu.memory_space<vmem>>
      %dma_wait3A_752 = tpu.memref_squeeze %dma_wait3A_751 : memref<1x128xi32, #tpu.memory_space<vmem>> -> memref<128xi32, #tpu.memory_space<vmem>>
      %dma_wait3A_753 = arith.constant 0 : i32
      %dma_wait3A_754 = arith.constant 0 : i32
      %dma_wait3A_755 = tpu.memref_slice %arg7[%dma_wait3A_753, %dma_wait3A_754] : memref<1001x128xf32, #tpu.memory_space<vmem_shared>> -> memref<1001x128xf32, #tpu.memory_space<vmem_shared>>
      %dma_wait3A_756 = tpu.memref_slice %arg8[%dma_wait3A_746] : memref<5x!tpu.dma_semaphore, #tpu.memory_space<semaphore_mem>> -> memref<1x!tpu.dma_semaphore, #tpu.memory_space<semaphore_mem>>
      %dma_wait3A_757 = tpu.memref_squeeze %dma_wait3A_756 : memref<1x!tpu.dma_semaphore, #tpu.memory_space<semaphore_mem>> -> memref<!tpu.dma_semaphore, #tpu.memory_space<semaphore_mem>>
      tpu.wait_indirect_dma semaphore(%dma_wait3A_757 : memref<!tpu.dma_semaphore, #tpu.memory_space<semaphore_mem>>) src(%dma_wait3A_755 : memref<1001x128xf32, #tpu.memory_space<vmem_shared>>) dst(%dma_wait3A_750 : memref<128x128xf32, #tpu.memory_space<vmem>>)
      %jit3A_758 = arith.constant 4 : i32
      %div3A_759 = arith.divsi %add3A_744, %jit3A_758 : i32
      %sign3A_760 = arith.constant 0 : i32
      %sign3A_761 = arith.cmpi sgt, %add3A_744, %sign3A_760 : i32
      %sign3A_762 = arith.extui %sign3A_761 : i1 to i32
      %sign3A_763 = arith.constant 0 : i32
      %sign3A_764 = arith.cmpi slt, %add3A_744, %sign3A_763 : i32
      %sign3A_765 = arith.extui %sign3A_764 : i1 to i32
      %sign3A_766 = arith.subi %sign3A_762, %sign3A_765 : i32
      %sign3A_767 = arith.constant 0 : i32
      %sign3A_768 = arith.cmpi sgt, %jit3A_758, %sign3A_767 : i32
      %sign3A_769 = arith.extui %sign3A_768 : i1 to i32
      %sign3A_770 = arith.constant 0 : i32
      %sign3A_771 = arith.cmpi slt, %jit3A_758, %sign3A_770 : i32
      %sign3A_772 = arith.extui %sign3A_771 : i1 to i32
      %sign3A_773 = arith.subi %sign3A_769, %sign3A_772 : i32
      %ne3A_774 = arith.cmpi ne, %sign3A_766, %sign3A_773 : i32
      %rem3A_775 = arith.remsi %add3A_744, %jit3A_758 : i32
      %ne3A_776 = arith.constant 0 : i32
      %ne3A_777 = arith.cmpi ne, %rem3A_775, %ne3A_776 : i32
      %and3A_778 = arith.andi %ne3A_774, %ne3A_777 : i1
      %sub3A_779 = arith.constant 1 : i32
      %sub3A_780 = arith.subi %div3A_759, %sub3A_779 : i32
      %select_n3A_781 = arith.select %and3A_778, %sub3A_780, %div3A_759 : i32
      %jit3A_782 = arith.constant 4 : i32
      %eq3A_783 = arith.constant 0 : i32
      %eq3A_784 = arith.cmpi eq, %jit3A_782, %eq3A_783 : i32
      %jit3A_785 = arith.constant 1 : i32
      %select_n3A_786 = arith.select %eq3A_784, %jit3A_785, %jit3A_782 : i32
      %rem3A_787 = arith.remsi %add3A_744, %select_n3A_786 : i32
      %ne3A_788 = arith.constant 0 : i32
      %ne3A_789 = arith.cmpi ne, %rem3A_787, %ne3A_788 : i32
      %lt3A_790 = arith.constant 0 : i32
      %lt3A_791 = arith.cmpi slt, %rem3A_787, %lt3A_790 : i32
      %lt3A_792 = arith.constant 0 : i32
      %lt3A_793 = arith.cmpi slt, %select_n3A_786, %lt3A_792 : i32
      %ne3A_794 = arith.xori %lt3A_791, %lt3A_793 : i1
      %and3A_795 = arith.andi %ne3A_794, %ne3A_789 : i1
      %add3A_796 = arith.addi %rem3A_787, %select_n3A_786 : i32
      %select_n3A_797 = arith.select %and3A_795, %add3A_796, %rem3A_787 : i32
      %mul3A_798 = arith.constant 128 : i32
      %mul3A_799 = arith.muli %select_n3A_797, %mul3A_798 : i32
      %add3A_800 = arith.addi %mul3A_2, %mul3A_799 : i32
      %dma_start3A_801 = arith.constant 4 : i32
      %dma_start3A_802 = arith.constant 4 : i32
      %dma_start3A_803 = arith.constant 0 : i32
      %dma_start3A_804 = arith.constant 0 : i32
      %dma_start3A_805 = tpu.memref_slice %arg6[%dma_start3A_801, %dma_start3A_803, %dma_start3A_804] : memref<5x128x128xf32, #tpu.memory_space<vmem>> -> memref<1x128x128xf32, #tpu.memory_space<vmem>>
      %dma_start3A_806 = tpu.memref_squeeze %dma_start3A_805 : memref<1x128x128xf32, #tpu.memory_space<vmem>> -> memref<128x128xf32, #tpu.memory_space<vmem>>
      %dma_start3A_807 = arith.constant 0 : i32
      %dma_start3A_808 = tpu.memref_slice %arg4[%select_n3A_781, %add3A_800, %dma_start3A_807] : memref<20x16384x128xf32, #tpu.memory_space<hbm>> -> memref<1x128x128xf32, #tpu.memory_space<hbm>>
      %dma_start3A_809 = tpu.memref_squeeze %dma_start3A_808 : memref<1x128x128xf32, #tpu.memory_space<hbm>> -> memref<128x128xf32, #tpu.memory_space<hbm>>
      %dma_start3A_810 = tpu.memref_slice %arg9[%dma_start3A_802] : memref<5x!tpu.dma_semaphore, #tpu.memory_space<semaphore_mem>> -> memref<1x!tpu.dma_semaphore, #tpu.memory_space<semaphore_mem>>
      %dma_start3A_811 = tpu.memref_squeeze %dma_start3A_810 : memref<1x!tpu.dma_semaphore, #tpu.memory_space<semaphore_mem>> -> memref<!tpu.dma_semaphore, #tpu.memory_space<semaphore_mem>>
      %dma_start3A_812 = arith.constant 0 : i32
      %dma_start3A_813 = tpu.memref_slice %arg4[%select_n3A_781, %add3A_800, %dma_start3A_812] : memref<20x16384x128xf32, #tpu.memory_space<hbm>> -> memref<1x128x128xf32, #tpu.memory_space<hbm>>
      %dma_start3A_814 = tpu.memref_squeeze %dma_start3A_813 : memref<1x128x128xf32, #tpu.memory_space<hbm>> -> memref<128x128xf32, #tpu.memory_space<hbm>>
      %dma_start3A_815 = arith.constant 0 : i32
      %dma_start3A_816 = arith.constant 0 : i32
      %dma_start3A_817 = tpu.memref_slice %arg6[%dma_start3A_801, %dma_start3A_815, %dma_start3A_816] : memref<5x128x128xf32, #tpu.memory_space<vmem>> -> memref<1x128x128xf32, #tpu.memory_space<vmem>>
      %dma_start3A_818 = tpu.memref_squeeze %dma_start3A_817 : memref<1x128x128xf32, #tpu.memory_space<vmem>> -> memref<128x128xf32, #tpu.memory_space<vmem>>
      tpu.enqueue_dma source(%dma_start3A_818 : memref<128x128xf32, #tpu.memory_space<vmem>>) target(%dma_start3A_814 : memref<128x128xf32, #tpu.memory_space<hbm>>) target_semaphore(%dma_start3A_811 : memref<!tpu.dma_semaphore, #tpu.memory_space<semaphore_mem>>)
    }
    %scan3A_13 = arith.constant 16 : i32
    %add3A_14 = arith.constant 384 : i32
    %add3A_15 = arith.addi %mul3A_2, %add3A_14 : i32
    %dma_wait3A = arith.constant 0 : i32
    %dma_wait3A_16 = arith.constant 18 : i32
    %dma_wait3A_17 = arith.constant 0 : i32
    %dma_wait3A_18 = arith.constant 0 : i32
    %dma_wait3A_19 = arith.constant 0 : i32
    %dma_wait3A_20 = tpu.memref_slice %arg6[%dma_wait3A, %dma_wait3A_18, %dma_wait3A_19] : memref<5x128x128xf32, #tpu.memory_space<vmem>> -> memref<1x128x128xf32, #tpu.memory_space<vmem>>
    %dma_wait3A_21 = tpu.memref_squeeze %dma_wait3A_20 : memref<1x128x128xf32, #tpu.memory_space<vmem>> -> memref<128x128xf32, #tpu.memory_space<vmem>>
    %dma_wait3A_22 = arith.constant 0 : i32
    %dma_wait3A_23 = tpu.memref_slice %arg4[%dma_wait3A_16, %add3A_15, %dma_wait3A_22] : memref<20x16384x128xf32, #tpu.memory_space<hbm>> -> memref<1x128x128xf32, #tpu.memory_space<hbm>>
    %dma_wait3A_24 = tpu.memref_squeeze %dma_wait3A_23 : memref<1x128x128xf32, #tpu.memory_space<hbm>> -> memref<128x128xf32, #tpu.memory_space<hbm>>
    %dma_wait3A_25 = tpu.memref_slice %arg9[%dma_wait3A_17] : memref<5x!tpu.dma_semaphore, #tpu.memory_space<semaphore_mem>> -> memref<1x!tpu.dma_semaphore, #tpu.memory_space<semaphore_mem>>
    %dma_wait3A_26 = tpu.memref_squeeze %dma_wait3A_25 : memref<1x!tpu.dma_semaphore, #tpu.memory_space<semaphore_mem>> -> memref<!tpu.dma_semaphore, #tpu.memory_space<semaphore_mem>>
    %dma_wait3A_27 = arith.constant 0 : i32
    %dma_wait3A_28 = tpu.memref_slice %arg4[%dma_wait3A_16, %add3A_15, %dma_wait3A_27] : memref<20x16384x128xf32, #tpu.memory_space<hbm>> -> memref<1x128x128xf32, #tpu.memory_space<hbm>>
    %dma_wait3A_29 = tpu.memref_squeeze %dma_wait3A_28 : memref<1x128x128xf32, #tpu.memory_space<hbm>> -> memref<128x128xf32, #tpu.memory_space<hbm>>
    %dma_wait3A_30 = arith.constant 0 : i32
    %dma_wait3A_31 = arith.constant 0 : i32
    %dma_wait3A_32 = tpu.memref_slice %arg6[%dma_wait3A, %dma_wait3A_30, %dma_wait3A_31] : memref<5x128x128xf32, #tpu.memory_space<vmem>> -> memref<1x128x128xf32, #tpu.memory_space<vmem>>
    %dma_wait3A_33 = tpu.memref_squeeze %dma_wait3A_32 : memref<1x128x128xf32, #tpu.memory_space<vmem>> -> memref<128x128xf32, #tpu.memory_space<vmem>>
    tpu.wait_dma2 semaphore(%dma_wait3A_26 : memref<!tpu.dma_semaphore, #tpu.memory_space<semaphore_mem>>) src(%dma_wait3A_33 : memref<128x128xf32, #tpu.memory_space<vmem>>) dst(%dma_wait3A_29 : memref<128x128xf32, #tpu.memory_space<hbm>>)
    %add3A_34 = arith.constant 0 : i32
    %add3A_35 = arith.addi %mul3A_2, %add3A_34 : i32
    %dma_wait3A_36 = arith.constant 1 : i32
    %dma_wait3A_37 = arith.constant 19 : i32
    %dma_wait3A_38 = arith.constant 1 : i32
    %dma_wait3A_39 = arith.constant 0 : i32
    %dma_wait3A_40 = arith.constant 0 : i32
    %dma_wait3A_41 = tpu.memref_slice %arg6[%dma_wait3A_36, %dma_wait3A_39, %dma_wait3A_40] : memref<5x128x128xf32, #tpu.memory_space<vmem>> -> memref<1x128x128xf32, #tpu.memory_space<vmem>>
    %dma_wait3A_42 = tpu.memref_squeeze %dma_wait3A_41 : memref<1x128x128xf32, #tpu.memory_space<vmem>> -> memref<128x128xf32, #tpu.memory_space<vmem>>
    %dma_wait3A_43 = arith.constant 0 : i32
    %dma_wait3A_44 = tpu.memref_slice %arg4[%dma_wait3A_37, %add3A_35, %dma_wait3A_43] : memref<20x16384x128xf32, #tpu.memory_space<hbm>> -> memref<1x128x128xf32, #tpu.memory_space<hbm>>
    %dma_wait3A_45 = tpu.memref_squeeze %dma_wait3A_44 : memref<1x128x128xf32, #tpu.memory_space<hbm>> -> memref<128x128xf32, #tpu.memory_space<hbm>>
    %dma_wait3A_46 = tpu.memref_slice %arg9[%dma_wait3A_38] : memref<5x!tpu.dma_semaphore, #tpu.memory_space<semaphore_mem>> -> memref<1x!tpu.dma_semaphore, #tpu.memory_space<semaphore_mem>>
    %dma_wait3A_47 = tpu.memref_squeeze %dma_wait3A_46 : memref<1x!tpu.dma_semaphore, #tpu.memory_space<semaphore_mem>> -> memref<!tpu.dma_semaphore, #tpu.memory_space<semaphore_mem>>
    %dma_wait3A_48 = arith.constant 0 : i32
    %dma_wait3A_49 = tpu.memref_slice %arg4[%dma_wait3A_37, %add3A_35, %dma_wait3A_48] : memref<20x16384x128xf32, #tpu.memory_space<hbm>> -> memref<1x128x128xf32, #tpu.memory_space<hbm>>
    %dma_wait3A_50 = tpu.memref_squeeze %dma_wait3A_49 : memref<1x128x128xf32, #tpu.memory_space<hbm>> -> memref<128x128xf32, #tpu.memory_space<hbm>>
    %dma_wait3A_51 = arith.constant 0 : i32
    %dma_wait3A_52 = arith.constant 0 : i32
    %dma_wait3A_53 = tpu.memref_slice %arg6[%dma_wait3A_36, %dma_wait3A_51, %dma_wait3A_52] : memref<5x128x128xf32, #tpu.memory_space<vmem>> -> memref<1x128x128xf32, #tpu.memory_space<vmem>>
    %dma_wait3A_54 = tpu.memref_squeeze %dma_wait3A_53 : memref<1x128x128xf32, #tpu.memory_space<vmem>> -> memref<128x128xf32, #tpu.memory_space<vmem>>
    tpu.wait_dma2 semaphore(%dma_wait3A_47 : memref<!tpu.dma_semaphore, #tpu.memory_space<semaphore_mem>>) src(%dma_wait3A_54 : memref<128x128xf32, #tpu.memory_space<vmem>>) dst(%dma_wait3A_50 : memref<128x128xf32, #tpu.memory_space<hbm>>)
    %add3A_55 = arith.constant 128 : i32
    %add3A_56 = arith.addi %mul3A_2, %add3A_55 : i32
    %dma_wait3A_57 = arith.constant 2 : i32
    %dma_wait3A_58 = arith.constant 19 : i32
    %dma_wait3A_59 = arith.constant 2 : i32
    %dma_wait3A_60 = arith.constant 0 : i32
    %dma_wait3A_61 = arith.constant 0 : i32
    %dma_wait3A_62 = tpu.memref_slice %arg6[%dma_wait3A_57, %dma_wait3A_60, %dma_wait3A_61] : memref<5x128x128xf32, #tpu.memory_space<vmem>> -> memref<1x128x128xf32, #tpu.memory_space<vmem>>
    %dma_wait3A_63 = tpu.memref_squeeze %dma_wait3A_62 : memref<1x128x128xf32, #tpu.memory_space<vmem>> -> memref<128x128xf32, #tpu.memory_space<vmem>>
    %dma_wait3A_64 = arith.constant 0 : i32
    %dma_wait3A_65 = tpu.memref_slice %arg4[%dma_wait3A_58, %add3A_56, %dma_wait3A_64] : memref<20x16384x128xf32, #tpu.memory_space<hbm>> -> memref<1x128x128xf32, #tpu.memory_space<hbm>>
    %dma_wait3A_66 = tpu.memref_squeeze %dma_wait3A_65 : memref<1x128x128xf32, #tpu.memory_space<hbm>> -> memref<128x128xf32, #tpu.memory_space<hbm>>
    %dma_wait3A_67 = tpu.memref_slice %arg9[%dma_wait3A_59] : memref<5x!tpu.dma_semaphore, #tpu.memory_space<semaphore_mem>> -> memref<1x!tpu.dma_semaphore, #tpu.memory_space<semaphore_mem>>
    %dma_wait3A_68 = tpu.memref_squeeze %dma_wait3A_67 : memref<1x!tpu.dma_semaphore, #tpu.memory_space<semaphore_mem>> -> memref<!tpu.dma_semaphore, #tpu.memory_space<semaphore_mem>>
    %dma_wait3A_69 = arith.constant 0 : i32
    %dma_wait3A_70 = tpu.memref_slice %arg4[%dma_wait3A_58, %add3A_56, %dma_wait3A_69] : memref<20x16384x128xf32, #tpu.memory_space<hbm>> -> memref<1x128x128xf32, #tpu.memory_space<hbm>>
    %dma_wait3A_71 = tpu.memref_squeeze %dma_wait3A_70 : memref<1x128x128xf32, #tpu.memory_space<hbm>> -> memref<128x128xf32, #tpu.memory_space<hbm>>
    %dma_wait3A_72 = arith.constant 0 : i32
    %dma_wait3A_73 = arith.constant 0 : i32
    %dma_wait3A_74 = tpu.memref_slice %arg6[%dma_wait3A_57, %dma_wait3A_72, %dma_wait3A_73] : memref<5x128x128xf32, #tpu.memory_space<vmem>> -> memref<1x128x128xf32, #tpu.memory_space<vmem>>
    %dma_wait3A_75 = tpu.memref_squeeze %dma_wait3A_74 : memref<1x128x128xf32, #tpu.memory_space<vmem>> -> memref<128x128xf32, #tpu.memory_space<vmem>>
    tpu.wait_dma2 semaphore(%dma_wait3A_68 : memref<!tpu.dma_semaphore, #tpu.memory_space<semaphore_mem>>) src(%dma_wait3A_75 : memref<128x128xf32, #tpu.memory_space<vmem>>) dst(%dma_wait3A_71 : memref<128x128xf32, #tpu.memory_space<hbm>>)
    %add3A_76 = arith.constant 256 : i32
    %add3A_77 = arith.addi %mul3A_2, %add3A_76 : i32
    %dma_wait3A_78 = arith.constant 3 : i32
    %dma_wait3A_79 = arith.constant 19 : i32
    %dma_wait3A_80 = arith.constant 3 : i32
    %dma_wait3A_81 = arith.constant 0 : i32
    %dma_wait3A_82 = arith.constant 0 : i32
    %dma_wait3A_83 = tpu.memref_slice %arg6[%dma_wait3A_78, %dma_wait3A_81, %dma_wait3A_82] : memref<5x128x128xf32, #tpu.memory_space<vmem>> -> memref<1x128x128xf32, #tpu.memory_space<vmem>>
    %dma_wait3A_84 = tpu.memref_squeeze %dma_wait3A_83 : memref<1x128x128xf32, #tpu.memory_space<vmem>> -> memref<128x128xf32, #tpu.memory_space<vmem>>
    %dma_wait3A_85 = arith.constant 0 : i32
    %dma_wait3A_86 = tpu.memref_slice %arg4[%dma_wait3A_79, %add3A_77, %dma_wait3A_85] : memref<20x16384x128xf32, #tpu.memory_space<hbm>> -> memref<1x128x128xf32, #tpu.memory_space<hbm>>
    %dma_wait3A_87 = tpu.memref_squeeze %dma_wait3A_86 : memref<1x128x128xf32, #tpu.memory_space<hbm>> -> memref<128x128xf32, #tpu.memory_space<hbm>>
    %dma_wait3A_88 = tpu.memref_slice %arg9[%dma_wait3A_80] : memref<5x!tpu.dma_semaphore, #tpu.memory_space<semaphore_mem>> -> memref<1x!tpu.dma_semaphore, #tpu.memory_space<semaphore_mem>>
    %dma_wait3A_89 = tpu.memref_squeeze %dma_wait3A_88 : memref<1x!tpu.dma_semaphore, #tpu.memory_space<semaphore_mem>> -> memref<!tpu.dma_semaphore, #tpu.memory_space<semaphore_mem>>
    %dma_wait3A_90 = arith.constant 0 : i32
    %dma_wait3A_91 = tpu.memref_slice %arg4[%dma_wait3A_79, %add3A_77, %dma_wait3A_90] : memref<20x16384x128xf32, #tpu.memory_space<hbm>> -> memref<1x128x128xf32, #tpu.memory_space<hbm>>
    %dma_wait3A_92 = tpu.memref_squeeze %dma_wait3A_91 : memref<1x128x128xf32, #tpu.memory_space<hbm>> -> memref<128x128xf32, #tpu.memory_space<hbm>>
    %dma_wait3A_93 = arith.constant 0 : i32
    %dma_wait3A_94 = arith.constant 0 : i32
    %dma_wait3A_95 = tpu.memref_slice %arg6[%dma_wait3A_78, %dma_wait3A_93, %dma_wait3A_94] : memref<5x128x128xf32, #tpu.memory_space<vmem>> -> memref<1x128x128xf32, #tpu.memory_space<vmem>>
    %dma_wait3A_96 = tpu.memref_squeeze %dma_wait3A_95 : memref<1x128x128xf32, #tpu.memory_space<vmem>> -> memref<128x128xf32, #tpu.memory_space<vmem>>
    tpu.wait_dma2 semaphore(%dma_wait3A_89 : memref<!tpu.dma_semaphore, #tpu.memory_space<semaphore_mem>>) src(%dma_wait3A_96 : memref<128x128xf32, #tpu.memory_space<vmem>>) dst(%dma_wait3A_92 : memref<128x128xf32, #tpu.memory_space<hbm>>)
    %add3A_97 = arith.constant 384 : i32
    %add3A_98 = arith.addi %mul3A_2, %add3A_97 : i32
    %dma_wait3A_99 = arith.constant 4 : i32
    %dma_wait3A_100 = arith.constant 19 : i32
    %dma_wait3A_101 = arith.constant 4 : i32
    %dma_wait3A_102 = arith.constant 0 : i32
    %dma_wait3A_103 = arith.constant 0 : i32
    %dma_wait3A_104 = tpu.memref_slice %arg6[%dma_wait3A_99, %dma_wait3A_102, %dma_wait3A_103] : memref<5x128x128xf32, #tpu.memory_space<vmem>> -> memref<1x128x128xf32, #tpu.memory_space<vmem>>
    %dma_wait3A_105 = tpu.memref_squeeze %dma_wait3A_104 : memref<1x128x128xf32, #tpu.memory_space<vmem>> -> memref<128x128xf32, #tpu.memory_space<vmem>>
    %dma_wait3A_106 = arith.constant 0 : i32
    %dma_wait3A_107 = tpu.memref_slice %arg4[%dma_wait3A_100, %add3A_98, %dma_wait3A_106] : memref<20x16384x128xf32, #tpu.memory_space<hbm>> -> memref<1x128x128xf32, #tpu.memory_space<hbm>>
    %dma_wait3A_108 = tpu.memref_squeeze %dma_wait3A_107 : memref<1x128x128xf32, #tpu.memory_space<hbm>> -> memref<128x128xf32, #tpu.memory_space<hbm>>
    %dma_wait3A_109 = tpu.memref_slice %arg9[%dma_wait3A_101] : memref<5x!tpu.dma_semaphore, #tpu.memory_space<semaphore_mem>> -> memref<1x!tpu.dma_semaphore, #tpu.memory_space<semaphore_mem>>
    %dma_wait3A_110 = tpu.memref_squeeze %dma_wait3A_109 : memref<1x!tpu.dma_semaphore, #tpu.memory_space<semaphore_mem>> -> memref<!tpu.dma_semaphore, #tpu.memory_space<semaphore_mem>>
    %dma_wait3A_111 = arith.constant 0 : i32
    %dma_wait3A_112 = tpu.memref_slice %arg4[%dma_wait3A_100, %add3A_98, %dma_wait3A_111] : memref<20x16384x128xf32, #tpu.memory_space<hbm>> -> memref<1x128x128xf32, #tpu.memory_space<hbm>>
    %dma_wait3A_113 = tpu.memref_squeeze %dma_wait3A_112 : memref<1x128x128xf32, #tpu.memory_space<hbm>> -> memref<128x128xf32, #tpu.memory_space<hbm>>
    %dma_wait3A_114 = arith.constant 0 : i32
    %dma_wait3A_115 = arith.constant 0 : i32
    %dma_wait3A_116 = tpu.memref_slice %arg6[%dma_wait3A_99, %dma_wait3A_114, %dma_wait3A_115] : memref<5x128x128xf32, #tpu.memory_space<vmem>> -> memref<1x128x128xf32, #tpu.memory_space<vmem>>
    %dma_wait3A_117 = tpu.memref_squeeze %dma_wait3A_116 : memref<1x128x128xf32, #tpu.memory_space<vmem>> -> memref<128x128xf32, #tpu.memory_space<vmem>>
    tpu.wait_dma2 semaphore(%dma_wait3A_110 : memref<!tpu.dma_semaphore, #tpu.memory_space<semaphore_mem>>) src(%dma_wait3A_117 : memref<128x128xf32, #tpu.memory_space<vmem>>) dst(%dma_wait3A_113 : memref<128x128xf32, #tpu.memory_space<hbm>>)
    return
  }
}

</mosaic_0001>

<sc_bundles>
// kernel: kernel.3.cloned.1.call-start
scs
__scs_entry_jumppad:
0x0: {  	(pc) =	sbr.rel $0x88, $3  }
0x1: {  	(tag) =	ssettag $0x0;
	lr =	simm.s32 $0x1  }
0x2: {  	[smem:$0x3F9F] =	sst lr;
	_ =	strace $0xD0000000  }
0x3: {  	_ = 	snop  }
0x4: {  	_ = 	snop  }
0x5: {  	_ = 	snop  }
0x6: {  	_ = 	snop  }
0x7: {  	_ = 	snop  }
__scs_overlays_trampoline_lowered:
0x8: {  	[smem:$0x3FAE] =	sst s0  }
0x9: {  	[smem:$0x3FAF] =	sst s1  }
0xa: {  	[smem:$0x3FB0] =	sst s2  }
0xb: {  	[smem:$0x3FB1] =	sst s3  }
0xc: {  	[smem:$0x3FB2] =	sst s4  }
0xd: {  	[smem:$0x3FB3] =	sst s5  }
0xe: {  	[smem:$0x3FB4] =	sst s6  }
0xf: {  	[smem:$0x3FB5] =	sst s7  }
0x10: {  	[smem:$0x3FB6] =	sst s8  }
0x11: {  	[smem:$0x3FB7] =	sst s9;
	s0 =	simm.s32 @!p0 $0x0  }
0x12: {  	s1 =	sld [smem:$0x3F9D];
	s0 =	simm.s32 @p0 $0x1  }
0x13: {  	[smem:$0x3FB8] =	sst s0;
	s0 =	simm.s32 @!p1 $0x0  }
0x14: {  	s2 =	sld [smem:$0x3F9C];
	s0 =	simm.s32 @p1 $0x1  }
0x15: {  	[smem:$0x3FB9] =	sst s0;
	s0 =	simm.s32 @!p2 $0x0  }
0x16: {  	s3 =	sld [smem:$0x3FDB];
	s0 =	simm.s32 @p2 $0x1  }
0x17: {  	s4 =	simm.s32 $0x1BF5;
	[smem:$0x3FBB] =	sst s0  }
0x18: {  	s0 =	sld [smem:$0x3F9E];
	_ =	swait.ge [sflag:s4], $0x0  }
0x19: {  	s7 =	sld [smem:$0x3F9F]  }
0x1a: {  	s8 =	sadd.s32 $0xFFFFE003, lr  }
0x1b: {  	s9 =	sadd.s32 $0xFFFFFEF7, lr;
	s5 =	simm.s32 $0xFFFFFFFF;
	p2 =	slt.u32 s8, $0xFFFFF086  }
0x1c: {  	p1 =	slt.u32 s9, $0xF7A;
	s5 =	simm.s32 @!p2 $0x0  }
0x1d: {  	s5 =	simm.s32 @p1 $0x1;
	p0 =	seq.s32 s7, s2  }
0x1e: {  	s7 =	smul.u32 @!p0 $0xF7A, s2;
	p2 =	seq.s32 @!p0 s5, $0x0  }
0x1f: {  	s9 =	smul.u32 $0xF7A, s1;
	s8 =	simm.s32 @!p0 $0x1BF5;
	p2 =	por !p2, p0  }
0x20: {  	[sflag:s8] =	ssyncset.s32 @!p0 $0xFFFFF086;
	s6 =	sadd.s32 @!p0 s3, s7;
	s7 =	simm.s32 @!p0 $0x108  }
0x21: {  	s3 =	sadd.s32 s3, s9;
	s6 =	sadd.s32 @!p0 $0x88, s6;
	s7 =	simm.s32 @p2 $0x1082  }
0x22: {  	[simem:s7], [sflag:s8] =	dma.local @!p0 [hbm:s6], $0xF7A  }
0x23: {  	s9 =	sor.u32 $0xD0000000, s2;
	s6 =	simm.s32 $0x108;
	_ =	swait.ge @!p0 [sflag:s8], $0x0  }
0x24: {  	s3 =	sadd.s32 $0x88, s3;
	s6 =	simm.s32 @!p1 $0x1082;
	[sflag:s4] =	ssyncset.s32 $0xFFFFF086  }
0x25: {  	[simem:s6], [sflag:s4] =	dma.local [hbm:s3], $0xF7A  }
0x26: {  	[smem:$0x3F9F] =	sst s1;
	(tag) =	ssettag s2;
	_ =	strace s9  }
0x27: {  	s1 =	sld [smem:$0x3FAF]  }
0x28: {  	s2 =	sld [smem:$0x3FB0]  }
0x29: {  	s4 =	sld [smem:$0x3FB2]  }
0x2a: {  	p0 =	seq.s32 s5, $0x0;
	s5 =	sld [smem:$0x3FB3]  }
0x2b: {  	s6 =	sld [smem:$0x3FB4]  }
0x2c: {  	s7 =	sld [smem:$0x3FB5]  }
0x2d: {  	s3 =	simm.s32 $0x108;
	s8 =	sld [smem:$0x3FB6]  }
0x2e: {  	s3 =	simm.s32 @!p0 $0x1082;
	s9 =	sld [smem:$0x3FB7]  }
0x2f: {  	lr =	sadd.s32 s0, s3;
	s0 =	sld [smem:$0x3FAE]  }
0x30: {  	s3 =	sld [smem:$0x3FB1]  }
0x31: {  	[smem:$0x3FBA] =	sst s10  }
0x32: {  	s10 =	sld [smem:$0x3FB8];
	_ =	sdelay $0x3  }
0x33: {  	p0 =	seq.s32 s10, $0x1;
	s10 =	sld [smem:$0x3FBA];
	_ =	sdelay $0x3  }
0x34: {  	[smem:$0x3FBA] =	sst s10  }
0x35: {  	s10 =	sld [smem:$0x3FB9];
	_ =	sdelay $0x3  }
0x36: {  	p1 =	seq.s32 s10, $0x1;
	s10 =	sld [smem:$0x3FBA];
	_ =	sdelay $0x3  }
0x37: {  	[smem:$0x3FBA] =	sst s10  }
0x38: {  	s10 =	sld [smem:$0x3FBB]  }
0x39: {  	_ = 	snop;
	(pc) =	sbr.ind lr, $3  }
0x3a: {  	_ = 	snop  }
0x3b: {  	_ = 	snop  }
0x3c: {  	p2 =	seq.s32 s10, $0x1;
	s10 =	sld [smem:$0x3FBA]  }
0x3d: {  	_ =	shalt  }
0x3e: {  	_ =	shalt  }
0x3f: {  	_ =	shalt  }
0x40: {  	_ =	shalt  }
0x41: {  	_ =	shalt  }
0x42: {  	_ =	shalt  }
0x43: {  	_ =	shalt  }
0x44: {  	_ =	shalt  }
0x45: {  	_ =	shalt  }
0x46: {  	_ =	shalt  }
0x47: {  	_ =	shalt  }
0x48: {  	_ =	shalt  }
0x49: {  	_ =	shalt  }
0x4a: {  	_ =	shalt  }
0x4b: {  	_ =	shalt  }
0x4c: {  	_ =	shalt  }
0x4d: {  	_ =	shalt  }
0x4e: {  	_ =	shalt  }
0x4f: {  	_ =	shalt  }
0x50: {  	_ =	shalt  }
0x51: {  	_ =	shalt  }
0x52: {  	_ =	shalt  }
0x53: {  	_ =	shalt  }
0x54: {  	_ =	shalt  }
0x55: {  	_ =	shalt  }
0x56: {  	_ =	shalt  }
0x57: {  	_ =	shalt  }
0x58: {  	_ =	shalt  }
0x59: {  	_ =	shalt  }
0x5a: {  	_ =	shalt  }
0x5b: {  	_ =	shalt  }
0x5c: {  	_ =	shalt  }
0x5d: {  	_ =	shalt  }
0x5e: {  	_ =	shalt  }
0x5f: {  	_ =	shalt  }
0x60: {  	_ =	shalt  }
0x61: {  	_ =	shalt  }
0x62: {  	_ =	shalt  }
0x63: {  	_ =	shalt  }
0x64: {  	_ =	shalt  }
0x65: {  	_ =	shalt  }
0x66: {  	_ =	shalt  }
0x67: {  	_ =	shalt  }
0x68: {  	_ =	shalt  }
0x69: {  	_ =	shalt  }
0x6a: {  	_ =	shalt  }
0x6b: {  	_ =	shalt  }
0x6c: {  	_ =	shalt  }
0x6d: {  	_ =	shalt  }
0x6e: {  	_ =	shalt  }
0x6f: {  	_ =	shalt  }
0x70: {  	_ =	shalt  }
0x71: {  	_ =	shalt  }
0x72: {  	_ =	shalt  }
0x73: {  	_ =	shalt  }
0x74: {  	_ =	shalt  }
0x75: {  	_ =	shalt  }
0x76: {  	_ =	shalt  }
0x77: {  	_ =	shalt  }
0x78: {  	_ =	shalt  }
0x79: {  	_ =	shalt  }
0x7a: {  	_ =	shalt  }
0x7b: {  	_ =	shalt  }
0x7c: {  	_ =	shalt  }
0x7d: {  	_ =	shalt  }
0x7e: {  	_ =	shalt  }
0x7f: {  	_ =	shalt  }
0x80: {  	_ =	shalt  }
0x81: {  	_ =	shalt  }
0x82: {  	_ =	shalt  }
0x83: {  	_ =	shalt  }
0x84: {  	_ =	shalt  }
0x85: {  	_ =	shalt  }
0x86: {  	_ =	shalt  }
0x87: {  	_ =	shalt  }
.Lfunc_end0:
.L_simem_size_0:
called_computation_lowered:
.L_overlay_start_0:
0x88: {  	s2 =	sld [smem:$0x3FD9]  }
0x89: {  	s3 =	sld [smem:$0x3FFE];
	_ =	sdelay $0x1  }
0x8a: {  	s1 =	srdreg.scid  }
0x8b: {  	s0 =	sand.u32 $0x1, s1  }
0x8c: {  	s18 =	sshll.u32 s0, $0xA;
	s2 =	sadd.s32 s3, s2  }
0x8d: {  	s2 =	sadd.s32 s2, s18  }
0x8e: {  	[smem:$0x3FC6] =	sst s2  }
0x8f: {  	_ = 	snop  }
0x90: {  	s2 =	sld [smem:$0x3FC9]  }
0x91: {  	s19 =	sld [smem:$0x3FC8]  }
0x92: {  	s4 =	sld [smem:$0x3FD0];
	(tm) =	ssettm $0x1  }
0x93: {  	s5 =	sld [smem:$0x3FFB];
	_ =	sdelay $0x3  }
0x94: {  	_ =	strace s5  }
0x95: {  	s5 =	sld [smem:$0x3FFC];
	_ =	sdelay $0x3  }
0x96: {  	_ =	strace s5  }
0x97: {  	s5 =	sld [smem:$0x3FFD];
	_ =	sdelay $0x3  }
0x98: {  	_ =	strace s5  }
0x99: {  	_ =	strace $0x8FFFFFFF  }
0x9a: {  	s20 =	sld [smem:$0x3FDB];
	_ =	sdelay $0x1  }
0x9b: {  	s6 =	simm.s32 $_scs_section_size  }
0x9c: {  	s7 =	simm.s32 $_size__tile_overlayer_lowered;
	s8 =	simm.s32 $_tile_overlayer_lowered  }
0x9d: {  	s23 =	simm.s32 $0x1BFF;
	s22 =	sshll.u32 s8, $0x1;
	s5 =	sadd.s32 s6, s20  }
0x9e: {  	s9 =	simm.s32 $0x0;
	s21 =	sshll.u32 s7, $0x1;
	s7 =	sadd.s32 s22, s5  }
0x9f: {  	[timem:s9], [sflag:s23] =	dma.local [hbm:s7], s21  }
0xa0: {  	_ =	swait.ge [sflag:s23], s21  }
0xa1: {  	s6 =	ssub.s32 $0x0, s21;
	[sflag:s23] =	ssyncset.done $0x0  }
0xa2: {  	[sflag:s23] =	ssyncadd.s32 s6;
	_ =	sdelay $0x1  }
0xa3: {  	s24 =	simm.s32 $0x1B8B  }
0xa4: {  	_ =	swait.ge [sflag:s24], $0x1  }
0xa5: {  	[sflag:s24] =	ssyncset.done $0x0  }
0xa6: {  	s25 =	simm.s32 $0x1B8E;
	[sflag:s24] =	ssyncadd.s32 $0xFFFFFFFF  }
0xa7: {  	s26 =	simm.s32 $execute0_lowered;
	[smem:$0x3FD2] =	sst s25  }
0xa8: {  	s6 =	sshll.u32 s26, $0x1;
	_ =	strace $0x80000046;
	[dreg:$0x1] =	wrdreg $0xFFFFFFFF  }
0xa9: {  	s28 =	simm.s32 $_size_execute0_lowered;
	s5 =	sadd.s32 s5, s6;
	[dreg:$0x0] =	wrdreg $0x0  }
0xaa: {  	s6 =	sshll.u32 s28, $0x1;
	[dreg:$0x2] =	wrdreg s5  }
0xab: {  	[dreg:$0x3] =	wrdreg s6  }
0xac: {  	[dreg:$0x4] =	wrdreg $0xC0  }
0xad: {  	_ =	task [dreg:s9], $0x5FFFF  }
0xae: {  	[dreg:$0x1] =	wrdreg $0xFFFFFFFF  }
0xaf: {  	[dreg:$0x0] =	wrdreg $0x60  }
0xb0: {  	[dreg:$0x2] =	wrdreg s2  }
0xb1: {  	[dreg:$0x3] =	wrdreg s19  }
0xb2: {  	[dreg:$0x4] =	wrdreg s4  }
0xb3: {  	[dreg:$0x5] =	wrdreg $0x170000  }
0xb4: {  	[dreg:$0x6] =	wrdreg $0x9  }
0xb5: {  	_ =	task.clear_ibuf [dreg:s9], $0x7FFFF;
	_ =	strace $0x90000046  }
0xb6: {  	s29 =	simm.s32 $0x9;
	_ =	strace $0x80000048  }
0xb7: {  	_ =	swait.ge [sflag:s29], $0x1  }
0xb8: {  	[sflag:s29] =	ssyncadd.s32 $0xFFFFFFFF  }
0xb9: {  	_ =	strace $0x90000048  }
0xba: {  	_ =	sfence  }
0xbb: {  	s30 =	sld [smem:$0x0];
	_ =	sdelay $0x2  }
0xbc: {  	s31 =	sshll.u32 s1, $0xD;
	s1 =	sshrl.u32 s1, $0x2  }
0xbd: {  	s3 =	sand.u32 $0x4000, s31;
	s1 =	sadd.s32 s1, s30  }
0xbe: {  	s0 =	sor.u32 s3, s0;
	s1 =	sshll.u32 s1, $0x11  }
0xbf: {  	s0 =	sor.u32 s1, s0  }
0xc0: {  	s0 =	sadd.s32 $0x8F2B, s0  }
0xc1: {  	[sflag:s0] =	ssyncadd.remote.s32 $0x1  }
0xc2: {  	_ =	sfence.sel $0xFFFF  }
0xc3: {  	[dreg:$0x0] =	wrdreg $0xFFFFFFFF;
	(pc) =	sbr.abs _section_cstart, $3  }
0xc4: {  	[dreg:$0x1] =	wrdreg $0xFFFFFFFF  }
0xc5: {  	_ =	task.clear_ibuf [dreg:s9], $0x2FFFF;
	_ =	strace $0x9FFFFFFF  }
0xc6: {  	(tm) =	ssettm $0x7FFFFFFF  }
0xc7: {  	_ =	shalt  }
tec
execute0_lowered:
.L_overlay_start_1:
0x0: {  	(tag) =	ssettag $0x1  }
0x1: {  	s0 =	rddreg [dreg:$0x0]  }
0x2: {  	s4 =	rddreg [dreg:$0x1]  }
0x3: {  	s24 =	rddreg [dreg:$0x2]  }
0x4: {  	s3 =	rddreg [dreg:$0x3];
	s5 =	srdreg.scid  }
0x5: {  	s1 =	simm.s32 $0x0;
	s10 =	stileid.u32;
	s2 =	simm.s32 $0x80  }
0x6: {  	s15 =	simm.s32 $0x3000;
	s23 =	simm.s32 $0x7000;
	s20 =	simm.s32 $0xB000  }
0x7: {  	s21 =	simm.s32 $0xF000;
	s18 =	simm.s32 $0x13000;
	s19 =	simm.s32 $0x2  }
0x8: {  	s22 =	simm.s32 $0x4;
	s16 =	simm.s32 $0x0;
	s5 =	sand.u32 $0x1, s5  }
0x9: {  	[smem:$0x7FF] =	sst s1;
	s8 =	sshll.u32 s10, $0xA;
	s9 =	sshll.u32 s10, $0xD  }
0xa: {  	p0 =	seq.s32 s10, $0xF;
	s6 =	ssub.s32 $0x2, s5;
	s5 =	sshll.u32 s5, $0x9  }
0xb: {  	_ =	strace $0x80000047;
	s26 =	sor.u32 s5, s8;
	s8 =	sadd.s32 s4, s8  }
0xc: {  	s7 =	sshrl.u32 s6, $0x1;
	s4 =	sadd.s32 $0x3C00, s4;
	[dreg:$0x5] =	wrdreg s8  }
0xd: {  	s6 =	ssub.s32 s6, s7;
	[dreg:$0x6] =	wrdreg s4;
	s0 =	sadd.s32 s0, s26  }
0xe: {  	s8 =	sadd.s32 $0x1E000, s3;
	[dreg:$0x7] =	wrdreg s0;
	s31 =	smax.u32 s6, $0x1  }
0xf: {  	s0 =	sshll.u32 @!p0 s10, $0x6;
	s4 =	sshrl.u32 @p0 s8, $0x3;
	[dreg:$0x8] =	wrdreg s31  }
0x10: {  	s7 =	sadd.s32 s9, s3;
	[dreg:$0x9] =	wrdreg s4;
	s0 =	sor.u32 @!p0 $0x1C0B, s0  }
0x11: {  	s25 =	simm.s32 $0x3000;
	[dreg:$0xa] =	wrdreg s0;
	s0 =	sshrl.u32 @!p0 s7, $0x3  }
0x12: {  	s5 =	simm.s32 $0x1;
	s4 =	simm.s32 $0x0;
	[dreg:$0xb] =	wrdreg s0  }
.LBB2_1:
0x13: {  	[dreg:$0xc] =	wrdreg s4  }
0x14: {  	s0 =	rddreg [dreg:$0x6]  }
0x15: {  	s6 =	simm.s32 @p0 $0x1FCB;
	s4 =	rddreg [dreg:$0x9]  }
0x16: {  	s17 =	simm.s32 $0x1000;
	s28 =	simm.s32 $0x20000;
	s1 =	simm.s32 $0x0  }
0x17: {  	[spmem:s4], [sflag:s6] =	dma.local @p0 [hbm:s0], $0x290  }
0x18: {  	s29 =	simm.s32 $0xB;
	s30 =	simm.s32 $0x100;
	s6 =	simm.s32 @p0 $0xB  }
0x19: {  	s7 =	simm.s32 $0x180;
	s8 =	simm.s32 $0x80;
	_ =	swait.ge @p0 [sflag:s6], $0x290  }
0x1a: {  	s10 =	simm.s32 $0x0;
	p1 =	por $0x1, $0x1;
	s0 =	rddreg [dreg:$0x5]  }
0x1b: {  	s12 =	simm.s32 $0x0;
	[sflag:s6] =	ssyncset.done @p0 $0x0;
	s4 =	rddreg [dreg:$0xa]  }
0x1c: {  	s7 =	sand.u32 $0x180, s7;
	[sflag:s6] =	ssyncadd.s32 @p0 $0xFFFFFD70;
	s6 =	rddreg [dreg:$0xb]  }
0x1d: {  	[spmem:s6], [sflag:s4] =	dma.local @!p0 [hbm:s0], $0x400  }
0x1e: {  	s9 =	sand.u32 $0x180, s1;
	s13 =	simm.s32 @!p1 $0x6;
	s6 =	simm.s32 @!p0 $0xB  }
0x1f: {  	s12 =	sand.u32 $0x3000, s12;
	s10 =	sand.u32 $0x380, s10;
	_ =	swait.ge @!p0 [sflag:s6], $0x400  }
0x20: {  	s8 =	sand.u32 $0x180, s8;
	s11 =	sshll.u32 s9, $0x5;
	[sflag:s6] =	ssyncset.done @!p0 $0x0  }
0x21: {  	s31 =	sshll.u32 s8, $0x3;
	s14 =	rddreg [dreg:$0x7];
	[sflag:s6] =	ssyncadd.s32 @!p0 $0xFFFFFC00  }
0x22: {  	[tilespmem:s1], [sflag:$0xB] =	stream.strided.gather [hbm4b:s14+s17], $0x3000, s28, s17, $0x38;
	[tilespmem:$0x18F48] =	vst v63  }
0x23: {  	s8 =	sor.u32 s26, s8;
	s9 =	sor.u32 s26, s9;
	_ =	swait.ge [sflag:s29], $0x3000  }
0x24: {  	s11 =	sshrl.u32 s11, $0x2;
	s9 =	sshll.u32 s9, $0x4;
	[sflag:s29] =	ssyncset.done $0x0  }
0x25: {  	s8 =	sshll.u32 s8, $0x4;
	s12 =	sor.u32 s11, s12;
	[sflag:s29] =	ssyncadd.s32 $0xFFFFD000  }
0x26: {  	s10 =	sor.u32 s10, s12;
	s12 =	simm.s32 @!p1 $0x7;
	[bflag:$0x0] =	sbarrier.arrive $0xFFFF  }
0x27: {  	s0 =	simm.s32 $0x20;
	s4 =	simm.s32 $0x40;
	_ =	swait.ge @!p1 [sflag:s13], $0x4000  }
0x28: {  	s6 =	sand.u32 $0x180, s30;
	s30 =	simm.s32 $0x180;
	[sflag:s13] =	ssyncset.done @!p1 $0x0  }
0x29: {  	s14 =	simm.s32 $0x80;
	s17 =	simm.s32 $0x100;
	[sflag:s13] =	ssyncadd.s32 @!p1 $0xFFFFC000  }
0x2a: {  	[tilespmem:s15], [sflag:$0x1] =	stream.indirect.gather [spmem:s3], $0x80, s10, s2, $0xb8;
	[tilespmem:$0x18F48] =	vst v63  }
0x2b: {  	s28 =	sshll.u32 s6, $0x3;
	s14 =	sand.u32 $0x7000, s14;
	_ =	swait.ge @!p1 [sflag:s12], $0x4000  }
0x2c: {  	s13 =	sor.u32 s31, s14;
	s10 =	sand.u32 $0x380, s0;
	[sflag:s12] =	ssyncset.done @!p1 $0x0  }
0x2d: {  	s29 =	simm.s32 $0x60;
	s10 =	sor.u32 s10, s13;
	[sflag:s12] =	ssyncadd.s32 @!p1 $0xFFFFC000  }
0x2e: {  	[tilespmem:s23], [sflag:$0x2] =	stream.indirect.gather [spmem:s3], $0x80, s10, s2, $0xb8;
	[tilespmem:$0x18F48] =	vst v63  }
0x2f: {  	s14 =	sand.u32 $0x380, s4;
	s13 =	sand.u32 $0x7000, s17;
	s10 =	simm.s32 @!p1 $0x8  }
0x30: {  	s31 =	sshll.u32 s7, $0x3;
	s12 =	sor.u32 s28, s13;
	_ =	swait.ge @!p1 [sflag:s10], $0x4000  }
0x31: {  	s4 =	simm.s32 $0x200;
	s12 =	sor.u32 s14, s12;
	[sflag:s10] =	ssyncset.done @!p1 $0x0  }
0x32: {  	s14 =	simm.s32 @!p1 $0x9;
	[sflag:s10] =	ssyncadd.s32 @!p1 $0xFFFFC000;
	s10 =	sand.u32 $0x7000, s30  }
0x33: {  	[tilespmem:s20], [sflag:$0x3] =	stream.indirect.gather [spmem:s3], $0x80, s12, s2, $0xb8;
	[tilespmem:$0x18F48] =	vst v63  }
0x34: {  	s0 =	sand.u32 $0x380, s29;
	s10 =	sor.u32 s31, s10;
	_ =	swait.ge @!p1 [sflag:s14], $0x4000  }
0x35: {  	s12 =	sand.u32 $0x7000, s4;
	s10 =	sor.u32 s0, s10;
	[sflag:s14] =	ssyncset.done @!p1 $0x0  }
0x36: {  	s13 =	sor.u32 s11, s12;
	s12 =	simm.s32 @!p1 $0xA;
	[sflag:s14] =	ssyncadd.s32 @!p1 $0xFFFFC000  }
0x37: {  	[tilespmem:s21], [sflag:$0x4] =	stream.indirect.gather [spmem:s3], $0x80, s10, s2, $0xb8;
	[tilespmem:$0x18F48] =	vst v63  }
0x38: {  	s6 =	sor.u32 s26, s6;
	s14 =	simm.s32 $0x80;
	_ =	swait.ge @!p1 [sflag:s12], $0x4000  }
0x39: {  	s6 =	sshll.u32 s6, $0x4;
	s11 =	sand.u32 $0x380, s14;
	[sflag:s12] =	ssyncset.done @!p1 $0x0  }
0x3a: {  	s7 =	sor.u32 s26, s7;
	s10 =	sadd.s32 s11, s13;
	[sflag:s12] =	ssyncadd.s32 @!p1 $0xFFFFC000  }
0x3b: {  	[tilespmem:s18], [sflag:$0x5] =	stream.indirect.gather [spmem:s3], $0x80, s10, s2, $0xb8;
	[tilespmem:$0x18F48] =	vst v63  }
0x3c: {  	s7 =	sshll.u32 s7, $0x4;
	s29 =	simm.s32 $0x40000;
	_ =	swait.ge [sflag:s5], $0x4000  }
0x3d: {  	s17 =	sadd.s32 $0x0, s24;
	s30 =	sadd.s32 $0x0, s24;
	[sflag:s5] =	ssyncset.done $0x0  }
0x3e: {  	s10 =	sadd.s32 s24, s9;
	s9 =	sadd.s32 s9, s17;
	[sflag:s5] =	ssyncadd.s32 $0xFFFFC000  }
0x3f: {  	[hbm4b:s9+s1] =	stream.linear.scatter [tilespmem:s15], [sflag:$0x6], $0x4000, $0x38;
	[tilespmem:$0x18F48] =	vst v63  }
0x40: {  	s20 =	sadd.s32 $0x0, s24;
	s31 =	simm.s32 $0x3;
	_ =	swait.ge [sflag:s19], $0x4000  }
0x41: {  	s21 =	sadd.s32 $0x0, s24;
	s14 =	simm.s32 $0x80;
	[sflag:s19] =	ssyncset.done $0x0  }
0x42: {  	s11 =	sadd.s32 s7, s20;
	s28 =	sadd.s32 s8, s21;
	[sflag:s19] =	ssyncadd.s32 $0xFFFFC000  }
0x43: {  	[hbm4b:s28+s1] =	stream.linear.scatter [tilespmem:s23], [sflag:$0x7], $0x4000, $0x38;
	[tilespmem:$0x18F48] =	vst v63  }
0x44: {  	s13 =	simm.s32 $0x5;
	s7 =	sand.u32 $0xFFFC0000, s29;
	_ =	swait.ge [sflag:s31], $0x4000  }
0x45: {  	s12 =	sadd.s32 s6, s30;
	s6 =	simm.s32 $0x400;
	[sflag:s31] =	ssyncset.done $0x0  }
.LBB2_2:
0x46: {  	s8 =	sadd.s32 $0xFFFFFF80, s6;
	s0 =	simm.s32 $0x3  }
0x47: {  	s31 =	sadd.s32 s7, s10;
	s29 =	sshrl.u32 s13, $0x2;
	s15 =	sand.u32 $0x180, s6  }
0x48: {  	s30 =	sadd.s32 $0x2, s13;
	s9 =	sadd.s32 $0x3, s13;
	s4 =	sshll.u32 s13, $0x5  }
0x49: {  	s7 =	sadd.s32 $0x4, s13;
	s5 =	simm.s32 $0xB000;
	p1 =	seq.s32 s13, $0x0  }
0x4a: {  	s28 =	sand.u32 $0x180, s14;
	s18 =	sshll.u32 s13, $0x7;
	[sflag:s0] =	ssyncadd.s32 $0xFFFFC000  }
0x4b: {  	s1 =	simm.s32 $0xF000;
	s2 =	smov.u32 s24;
	s10 =	sand.u32 $0x180, s8  }
0x4c: {  	s0 =	sadd.s32 $0xFFFFFF00, s6;
	s8 =	sor.u32 s26, s15;
	s17 =	sshll.u32 s30, $0x5  }
0x4d: {  	s19 =	sshll.u32 s28, $0x5;
	s18 =	sand.u32 $0x3000, s18;
	s20 =	sshll.u32 s9, $0x5  }
0x4e: {  	[hbm4b:s12+s16] =	stream.linear.scatter [tilespmem:s5], [sflag:$0x8], $0x4000, $0x38;
	[tilespmem:$0x18F48] =	vst v63  }
0x4f: {  	s21 =	simm.s32 @!p1 $0x6;
	s12 =	sadd.s32 $0x1, s13;
	_ =	swait.ge [sflag:s22], $0x4000  }
0x50: {  	s4 =	sand.u32 $0x380, s4;
	s24 =	simm.s32 @!p1 $0x7;
	[sflag:s22] =	ssyncset.done $0x0  }
0x51: {  	s15 =	sshll.u32 s15, $0x3;
	s19 =	sshrl.u32 s19, $0x2;
	[sflag:s22] =	ssyncadd.s32 $0xFFFFC000  }
0x52: {  	[hbm4b:s11+s16] =	stream.linear.scatter [tilespmem:s1], [sflag:$0x9], $0x4000, $0x38;
	[tilespmem:$0x18F48] =	vst v63  }
0x53: {  	s0 =	sand.u32 $0x180, s0;
	s23 =	sshll.u32 s10, $0x3;
	s1 =	simm.s32 $0x5  }
0x54: {  	s18 =	sor.u32 s19, s18;
	s11 =	simm.s32 @!p1 $0x8;
	_ =	swait.ge [sflag:s1], $0x4000  }
0x55: {  	s17 =	sand.u32 $0x380, s17;
	s4 =	sor.u32 s4, s18;
	[sflag:s1] =	ssyncset.done $0x0  }
0x56: {  	s22 =	sshll.u32 s12, $0x7;
	[sflag:s1] =	ssyncadd.s32 $0xFFFFC000;
	s1 =	simm.s32 $0x13000  }
0x57: {  	[hbm4b:s31+s16] =	stream.linear.scatter [tilespmem:s1], [sflag:$0xA], $0x4000, $0x38;
	[tilespmem:$0x18F48] =	vst v63  }
0x58: {  	s18 =	sshll.u32 s30, $0x7;
	s22 =	sand.u32 $0x7000, s22;
	_ =	swait.ge @!p1 [sflag:s21], $0x4000  }
0x59: {  	s8 =	sshll.u32 s8, $0x4;
	s18 =	sand.u32 $0x7000, s18;
	[sflag:s21] =	ssyncset.done @!p1 $0x0  }
0x5a: {  	s31 =	sshll.u32 s0, $0x3;
	[sflag:s21] =	ssyncadd.s32 @!p1 $0xFFFFC000;
	s21 =	sshll.u32 s12, $0x5  }
0x5b: {  	s18 =	sor.u32 s23, s18;
	s23 =	sshll.u32 s9, $0x7;
	s9 =	sshrl.u32 s9, $0x2  }
0x5c: {  	s17 =	sor.u32 s17, s18;
	s18 =	sshll.u32 s7, $0x7;
	s21 =	sand.u32 $0x380, s21  }
0x5d: {  	s23 =	sand.u32 $0x7000, s23;
	s1 =	simm.s32 $0x80;
	s22 =	sor.u32 s31, s22  }
0x5e: {  	[tilespmem:s25], [sflag:$0x1] =	stream.indirect.gather [spmem:s3], $0x80, s4, s1, $0xb8;
	[tilespmem:$0x18F48] =	vst v63  }
0x5f: {  	s31 =	sor.u32 s26, s0;
	s4 =	sor.u32 s21, s22;
	_ =	swait.ge @!p1 [sflag:s24], $0x4000  }
0x60: {  	s9 =	sshll.u32 s9, $0x12;
	s0 =	sshrl.u32 s30, $0x2;
	[sflag:s24] =	ssyncset.done @!p1 $0x0  }
0x61: {  	s21 =	sshll.u32 s29, $0x12;
	[sflag:s24] =	ssyncadd.s32 @!p1 $0xFFFFC000;
	s24 =	smov.u32 s2  }
0x62: {  	s18 =	sand.u32 $0x7000, s18;
	s15 =	sor.u32 s15, s23;
	s22 =	simm.s32 @!p1 $0x9  }
0x63: {  	s23 =	simm.s32 $0x7000;
	s18 =	sor.u32 s19, s18;
	s19 =	sand.u32 $0x380, s20  }
0x64: {  	s20 =	sshll.u32 s7, $0x5;
	s0 =	sshll.u32 s0, $0x12;
	s12 =	sshrl.u32 s12, $0x2  }
0x65: {  	[tilespmem:s23], [sflag:$0x2] =	stream.indirect.gather [spmem:s3], $0x80, s4, s1, $0xb8;
	[tilespmem:$0x18F48] =	vst v63  }
0x66: {  	s4 =	sor.u32 s19, s15;
	s15 =	sand.u32 $0x380, s20;
	_ =	swait.ge @!p1 [sflag:s11], $0x4000  }
0x67: {  	s12 =	sshll.u32 s12, $0x12;
	s19 =	sor.u32 s26, s28;
	[sflag:s11] =	ssyncset.done @!p1 $0x0  }
0x68: {  	s19 =	sshll.u32 s19, $0x4;
	[sflag:s11] =	ssyncadd.s32 @!p1 $0xFFFFC000;
	s11 =	simm.s32 @!p1 $0xA  }
0x69: {  	[tilespmem:s5], [sflag:$0x3] =	stream.indirect.gather [spmem:s3], $0x80, s17, s1, $0xb8;
	[tilespmem:$0x18F48] =	vst v63  }
0x6a: {  	s20 =	simm.s32 $0xB000;
	s15 =	sadd.s32 s15, s18;
	s5 =	simm.s32 $0x1  }
0x6b: {  	s17 =	sor.u32 s26, s10;
	s10 =	sadd.s32 s2, s19;
	_ =	swait.ge @!p1 [sflag:s22], $0x4000  }
0x6c: {  	s18 =	sadd.s32 s2, s21;
	s21 =	simm.s32 $0xF000;
	[sflag:s22] =	ssyncset.done @!p1 $0x0  }
0x6d: {  	s2 =	simm.s32 $0xF000;
	[sflag:s22] =	ssyncadd.s32 @!p1 $0xFFFFC000;
	s22 =	simm.s32 $0x4  }
0x6e: {  	[tilespmem:s2], [sflag:$0x4] =	stream.indirect.gather [spmem:s3], $0x80, s4, s1, $0xb8;
	[tilespmem:$0x18F48] =	vst v63  }
0x6f: {  	s4 =	sadd.s32 s19, s18;
	s19 =	simm.s32 $0x2;
	_ =	swait.ge @!p1 [sflag:s11], $0x4000  }
0x70: {  	s9 =	sadd.s32 s24, s9;
	s18 =	simm.s32 $0x13000;
	[sflag:s11] =	ssyncset.done @!p1 $0x0  }
0x71: {  	s2 =	simm.s32 $0x13000;
	[sflag:s11] =	ssyncadd.s32 @!p1 $0xFFFFC000;
	s11 =	sadd.s32 s8, s9  }
0x72: {  	[tilespmem:s2], [sflag:$0x5] =	stream.indirect.gather [spmem:s3], $0x80, s15, s1, $0xb8;
	[tilespmem:$0x18F48] =	vst v63  }
0x73: {  	s8 =	sshll.u32 s31, $0x4;
	s9 =	sadd.s32 s24, s12;
	_ =	swait.ge [sflag:s5], $0x4000  }
0x74: {  	s7 =	sshll.u32 s7, $0x10;
	s8 =	sadd.s32 s8, s9;
	[sflag:s5] =	ssyncset.done $0x0  }
0x75: {  	s13 =	sadd.s32 $0x5, s13;
	[sflag:s5] =	ssyncadd.s32 $0xFFFFC000  }
0x76: {  	[hbm4b:s4+s16] =	stream.linear.scatter [tilespmem:s25], [sflag:$0x6], $0x4000, $0x38;
	[tilespmem:$0x18F48] =	vst v63  }
0x77: {  	s0 =	sadd.s32 s24, s0;
	p1 =	sne.s32 s13, $0x50;
	_ =	swait.ge [sflag:s19], $0x4000  }
.Ltmp0:
0x78: {  	s4 =	sshll.u32 s17, $0x4;
	[sflag:s19] =	ssyncset.done $0x0;
	(pc) =	sbr.rel @p1 .LBB2_2-.Ltmp0, $4  }
0x79: {  	s1 =	simm.s32 $0x3;
	s12 =	sadd.s32 s4, s0;
	[sflag:s19] =	ssyncadd.s32 $0xFFFFC000  }
0x7a: {  	[hbm4b:s8+s16] =	stream.linear.scatter [tilespmem:s23], [sflag:$0x7], $0x4000, $0x38;
	[tilespmem:$0x18F48] =	vst v63  }
0x7b: {  	s14 =	sadd.s32 $0x80, s14;
	s6 =	sadd.s32 $0x280, s6;
	_ =	swait.ge [sflag:s1], $0x4000  }
0x7c: {  	s7 =	sand.u32 $0xFFFC0000, s7;
	s0 =	simm.s32 $0x3;
	[sflag:s1] =	ssyncset.done $0x0  }
0x7d: {  	[sflag:s0] =	ssyncadd.s32 $0xFFFFC000;
	s1 =	simm.s32 $0x0  }
0x7e: {  	[hbm4b:s12+s1] =	stream.linear.scatter [tilespmem:s20], [sflag:$0x8], $0x4000, $0x38;
	[tilespmem:$0x18F48] =	vst v63  }
0x7f: {  	_ =	swait.ge [sflag:s22], $0x4000  }
0x80: {  	[sflag:s22] =	ssyncset.done $0x0  }
0x81: {  	s2 =	simm.s32 $0x5;
	[sflag:s22] =	ssyncadd.s32 $0xFFFFC000  }
0x82: {  	[hbm4b:s11+s1] =	stream.linear.scatter [tilespmem:s21], [sflag:$0x9], $0x4000, $0x38;
	[tilespmem:$0x18F48] =	vst v63  }
0x83: {  	_ =	swait.ge [sflag:s2], $0x4000  }
0x84: {  	[sflag:s2] =	ssyncset.done $0x0  }
0x85: {  	s14 =	sadd.s32 s7, s10;
	s15 =	simm.s32 $0x6;
	[sflag:s2] =	ssyncadd.s32 $0xFFFFC000  }
0x86: {  	[hbm4b:s14+s1] =	stream.linear.scatter [tilespmem:s18], [sflag:$0xA], $0x4000, $0x38;
	[tilespmem:$0x18F48] =	vst v63  }
0x87: {  	_ =	swait.ge [sflag:s15], $0x4000  }
0x88: {  	[sflag:s15] =	ssyncset.done $0x0  }
0x89: {  	s17 =	simm.s32 $0x7;
	[sflag:s15] =	ssyncadd.s32 $0xFFFFC000  }
0x8a: {  	_ =	swait.ge [sflag:s17], $0x4000  }
0x8b: {  	[sflag:s17] =	ssyncset.done $0x0  }
0x8c: {  	s28 =	simm.s32 $0x8;
	[sflag:s17] =	ssyncadd.s32 $0xFFFFC000  }
0x8d: {  	_ =	swait.ge [sflag:s28], $0x4000  }
0x8e: {  	[sflag:s28] =	ssyncset.done $0x0  }
0x8f: {  	s29 =	simm.s32 $0x9;
	[sflag:s28] =	ssyncadd.s32 $0xFFFFC000  }
0x90: {  	_ =	swait.ge [sflag:s29], $0x4000  }
0x91: {  	[sflag:s29] =	ssyncset.done $0x0  }
0x92: {  	s30 =	simm.s32 $0xA;
	[sflag:s29] =	ssyncadd.s32 $0xFFFFC000  }
0x93: {  	_ =	swait.ge [sflag:s30], $0x4000  }
0x94: {  	s4 =	rddreg [dreg:$0xc]  }
0x95: {  	s31 =	rddreg [dreg:$0x8];
	s4 =	sadd.s32 $0x1, s4  }
0x96: {  	p1 =	sne.s32 s4, s31  }
.Ltmp1:
0x97: {  	_ = 	snop;
	(pc) =	sbr.rel @p1 .LBB2_1-.Ltmp1, $3  }
0x98: {  	_ =	sdelay $0x1  }
0x99: {  	[sflag:s30] =	ssyncset.done $0x0  }
0x9a: {  	s2 =	simm.s32 $0x80;
	s15 =	simm.s32 $0x3000;
	[sflag:s30] =	ssyncadd.s32 $0xFFFFC000  }
0x9b: {  	_ =	sfence.sel $0x180000  }
0x9c: {  	[bflag:$0x0] =	sbarrier.arrive $0xFFFF  }
0x9d: {  	_ =	strace $0x90000047  }
0x9e: {  	s0 =	stileid.u32;
	[bflag:$0x2] =	sbarrier.arrive $0xFFFF  }
0x9f: {  	p0 =	sne.s32 s0, $0x0;
	s0 =	rddreg [dreg:$0x4]  }
0xa0: {  	s0 =	sadd.s32 @!p0 $0x100000, s0  }
0xa1: {  	[sflag:s0] =	ssyncadd.tile.s32 @!p0 $0x1;
	_ =	shalt  }
.Lfunc_end2:
_tile_overlayer_lowered:
.L_overlay_start_2:
0xa2: {  	(tag) =	ssettag $0x2  }
0xa3: {  	s0 =	rddreg [dreg:$0x0];
	s2 =	stileid.u32  }
0xa4: {  	s1 =	rddreg [dreg:$0x1];
	p0 =	sne.s32 s2, $0x0  }
0xa5: {  	s3 =	rddreg [dreg:$0x2];
	[bflag:$0x3] =	sbarrier.arrive $0xFFFF;
	s2 =	simm.s32 @!p0 $0x1C0B  }
0xa6: {  	[timem:s3], [sflag:s2] =	dma.local @!p0 [hbm:s0], s1  }
0xa7: {  	s0 =	simm.s32 @!p0 $0xB  }
0xa8: {  	_ =	swait.ge @!p0 [sflag:s0], s1  }
0xa9: {  	s1 =	ssub.s32 @!p0 $0x0, s1;
	[sflag:s0] =	ssyncset.done @!p0 $0x0  }
0xaa: {  	[sflag:s0] =	ssyncadd.s32 @!p0 s1  }
0xab: {  	[bflag:$0x3] =	sbarrier.arrive $0xFFFF  }
0xac: {  	_ =	shalt  }

</sc_bundles>
